<compile_context>
chip_gen: v7x
topology: tpu7x:2x2x1
jax: 0.10.2.dev20260603
libtpu: 0.0.44.dev20260713+nightly
codegen_flags: <defaults>
</compile_context>

<pallas_src>
import functools

import jax
import jax.numpy as jnp
from jax import lax
from jax.experimental import pallas as pl
from jax.experimental.pallas import tpu as pltpu
from jax.experimental.pallas import tpu_sc as plsc

VOCAB = 50000
D = 4096
B = 4 * 2048

_INFO = plsc.get_sparse_core_info()
NW = _INFO.num_cores * _INFO.num_subcores
B_PER_W = B // NW
CHUNK = 4
NBUF = 7
LA = 4
N_STEPS = B_PER_W // CHUNK
_MAIN = (N_STEPS // NBUF) * NBUF


def _sc_gather(ids_flat, table):
    mesh = plsc.VectorSubcoreMesh(core_axis_name="c", subcore_axis_name="s")

    @functools.partial(
        pl.kernel,
        out_type=jax.ShapeDtypeStruct((B, D), jnp.float32),
        mesh=mesh,
        scratch_types=(
            [pltpu.VMEM((N_STEPS, CHUNK), jnp.int32)]
            + [pltpu.VMEM((CHUNK, D), jnp.float32) for _ in range(NBUF)]
            + [pltpu.SemaphoreType.DMA for _ in range(2 * NBUF)]
        ),
    )
    def body(ids_hbm, table_hbm, out_hbm, idx_v, *scratch):
        bufs = scratch[:NBUF]
        sem_g = scratch[NBUF : 2 * NBUF]
        sem_w = scratch[2 * NBUF :]
        wid = lax.axis_index("s") * _INFO.num_cores + lax.axis_index("c")
        base = wid * B_PER_W
        pltpu.sync_copy(ids_hbm.at[pl.ds(wid * N_STEPS, N_STEPS)], idx_v)

        def start_gather(c, b):
            pltpu.make_async_copy(
                table_hbm.at[idx_v.at[c]], bufs[b], sem_g[b]
            ).start()

        def wait_gather(b):
            pltpu.make_async_copy(
                table_hbm.at[pl.ds(0, CHUNK)], bufs[b], sem_g[b]
            ).wait()

        def start_wb(c, b):
            pltpu.make_async_copy(
                bufs[b], out_hbm.at[pl.ds(base + c * CHUNK, CHUNK)], sem_w[b]
            ).start()

        def wait_wb(b):
            pltpu.make_async_copy(
                bufs[b], out_hbm.at[pl.ds(base, CHUNK)], sem_w[b]
            ).wait()

        def step(c, j):
            b2 = (j + LA) % NBUF
            wait_gather(j)
            start_wb(c, j)
            c2 = c + LA

            if isinstance(c, int):
                if c2 < N_STEPS:
                    if c >= NBUF - LA:
                        wait_wb(b2)
                    start_gather(c2, b2)
            else:

                @pl.when(c2 < N_STEPS)
                def _():
                    @pl.when(c >= NBUF - LA)
                    def _():
                        wait_wb(b2)

                    start_gather(c2, b2)

        for j in range(LA):
            start_gather(j, j)

        def outer(g, carry):
            for j in range(NBUF):
                step(g * NBUF + j, j)
            return carry

        lax.fori_loop(0, N_STEPS // NBUF, outer, 0)
        for c in range(_MAIN, N_STEPS):
            step(c, c % NBUF)
        for b in range(NBUF):
            wait_wb(b)

    return body(ids_flat, table)


def kernel(input_ids, embedding):
    ids_flat = input_ids.reshape(B // CHUNK, CHUNK).astype(jnp.int32)
    out = _sc_gather(ids_flat, embedding)
    return out.reshape(input_ids.shape[0], input_ids.shape[1], D)

# --- scband reference (transcript-rebuilt; emitter-appended) ---
"""Pipeline reference for scband-mock-text-encoder-53592601919910 (READ-ONLY COPY).

The authoritative reference and input builder live on the scoring server;
editing this copy changes nothing except your own understanding.
"""

import jax, jax.numpy as jnp
import numpy as np

VOCAB = 50000
OUTPUT_DIM = 4096

def setup_inputs(seed: int = 0) -> dict:
    key = jax.random.key(seed)
    k1, k2 = jax.random.split(key)
    input_ids = jax.random.randint(k1, (4, 2048), 0, VOCAB, dtype=jnp.int64 if jax.config.jax_enable_x64 else jnp.int32)
    embedding = jax.random.normal(k2, (VOCAB, OUTPUT_DIM), dtype=jnp.float32)
    return {"input_ids": input_ids, "embedding": embedding}

def reference(input_ids, embedding):
    # nn.Embedding lookup: table[indices]
    return jnp.take(embedding, input_ids, axis=0)

if __name__ == "__main__":
    import jax
    _d = setup_inputs()
    print(jax.jit(kernel)(*tuple(_d.values())))

</pallas_src>

<mosaic_0001>
#map = affine_map<(d0, d1) -> (0, 0)>
module attributes {stable_mosaic.version = 14 : i64} {
  func.func @body(%arg0: i32, %arg1: i32, %arg2: memref<2048x4xi32, #tpu.memory_space<hbm>>, %arg3: memref<50000x4096xf32, #tpu.memory_space<hbm>>, %arg4: memref<8192x4096xf32, #tpu.memory_space<hbm>>, %arg5: memref<64x4xi32, #tpu.memory_space<vmem>>, %arg6: memref<4x4096xf32, #tpu.memory_space<vmem>>, %arg7: memref<4x4096xf32, #tpu.memory_space<vmem>>, %arg8: memref<4x4096xf32, #tpu.memory_space<vmem>>, %arg9: memref<4x4096xf32, #tpu.memory_space<vmem>>, %arg10: memref<4x4096xf32, #tpu.memory_space<vmem>>, %arg11: memref<4x4096xf32, #tpu.memory_space<vmem>>, %arg12: memref<4x4096xf32, #tpu.memory_space<vmem>>, %arg13: memref<!tpu.dma_semaphore, #tpu.memory_space<semaphore_mem>>, %arg14: memref<!tpu.dma_semaphore, #tpu.memory_space<semaphore_mem>>, %arg15: memref<!tpu.dma_semaphore, #tpu.memory_space<semaphore_mem>>, %arg16: memref<!tpu.dma_semaphore, #tpu.memory_space<semaphore_mem>>, %arg17: memref<!tpu.dma_semaphore, #tpu.memory_space<semaphore_mem>>, %arg18: memref<!tpu.dma_semaphore, #tpu.memory_space<semaphore_mem>>, %arg19: memref<!tpu.dma_semaphore, #tpu.memory_space<semaphore_mem>>, %arg20: memref<!tpu.dma_semaphore, #tpu.memory_space<semaphore_mem>>, %arg21: memref<!tpu.dma_semaphore, #tpu.memory_space<semaphore_mem>>, %arg22: memref<!tpu.dma_semaphore, #tpu.memory_space<semaphore_mem>>, %arg23: memref<!tpu.dma_semaphore, #tpu.memory_space<semaphore_mem>>, %arg24: memref<!tpu.dma_semaphore, #tpu.memory_space<semaphore_mem>>, %arg25: memref<!tpu.dma_semaphore, #tpu.memory_space<semaphore_mem>>, %arg26: memref<!tpu.dma_semaphore, #tpu.memory_space<semaphore_mem>>) attributes {dimension_semantics = [#tpu.dimension_semantics<core_parallel>, #tpu.dimension_semantics<subcore_parallel>], iteration_bounds = array<i64: 2, 16>, scalar_prefetch = 0 : i64, scratch_operands = 22 : i64, tpu.core_type = #tpu.core_type<sc_vector_subcore>, window_params = [{transform_indices = #map}, {transform_indices = #map}, {transform_indices = #map}]} {
    %mul3A = arith.constant 2 : i32
    %mul3A_0 = arith.muli %arg1, %mul3A : i32
    %add3A = arith.addi %mul3A_0, %arg0 : i32
    %mul3A_1 = arith.constant 256 : i32
    %mul3A_2 = arith.muli %add3A, %mul3A_1 : i32
    %mul3A_3 = arith.constant 64 : i32
    %mul3A_4 = arith.muli %add3A, %mul3A_3 : i32
    "tpu.region"() ({
      %run_scoped3A = tpu.sem_alloc : memref<!tpu.dma_semaphore, #tpu.memory_space<semaphore_mem>>
      %dma_start3A_76 = arith.constant 0 : i32
      %dma_start3A_77 = tpu.memref_slice %arg2[%mul3A_4, %dma_start3A_76] : memref<2048x4xi32, #tpu.memory_space<hbm>> -> memref<64x4xi32, #tpu.memory_space<hbm>>
      %dma_start3A_78 = arith.constant 0 : i32
      %dma_start3A_79 = tpu.memref_slice %arg2[%mul3A_4, %dma_start3A_78] : memref<2048x4xi32, #tpu.memory_space<hbm>> -> memref<64x4xi32, #tpu.memory_space<hbm>>
      tpu.enqueue_dma source(%dma_start3A_79 : memref<64x4xi32, #tpu.memory_space<hbm>>) target(%arg5 : memref<64x4xi32, #tpu.memory_space<vmem>>) target_semaphore(%run_scoped3A : memref<!tpu.dma_semaphore, #tpu.memory_space<semaphore_mem>>)
      %dma_wait3A_80 = arith.constant 0 : i32
      %dma_wait3A_81 = tpu.memref_slice %arg2[%mul3A_4, %dma_wait3A_80] : memref<2048x4xi32, #tpu.memory_space<hbm>> -> memref<64x4xi32, #tpu.memory_space<hbm>>
      %dma_wait3A_82 = arith.constant 0 : i32
      %dma_wait3A_83 = tpu.memref_slice %arg2[%mul3A_4, %dma_wait3A_82] : memref<2048x4xi32, #tpu.memory_space<hbm>> -> memref<64x4xi32, #tpu.memory_space<hbm>>
      tpu.wait_dma2 semaphore(%run_scoped3A : memref<!tpu.dma_semaphore, #tpu.memory_space<semaphore_mem>>) src(%dma_wait3A_83 : memref<64x4xi32, #tpu.memory_space<hbm>>) dst(%arg5 : memref<64x4xi32, #tpu.memory_space<vmem>>)
      tpu.yield
    }) : () -> ()
    %dma_start3A = arith.constant 0 : i32
    %dma_start3A_5 = arith.constant 0 : i32
    %dma_start3A_6 = tpu.memref_slice %arg5[%dma_start3A, %dma_start3A_5] : memref<64x4xi32, #tpu.memory_space<vmem>> -> memref<1x4xi32, #tpu.memory_space<vmem>>
    %dma_start3A_7 = tpu.memref_squeeze %dma_start3A_6 : memref<1x4xi32, #tpu.memory_space<vmem>> -> memref<4xi32, #tpu.memory_space<vmem>>
    %dma_start3A_8 = arith.constant 0 : i32
    %dma_start3A_9 = arith.constant 0 : i32
    %dma_start3A_10 = tpu.memref_slice %arg3[%dma_start3A_8, %dma_start3A_9] : memref<50000x4096xf32, #tpu.memory_space<hbm>> -> memref<50000x4096xf32, #tpu.memory_space<hbm>>
    tpu.enqueue_indirect_dma source(%dma_start3A_10 : memref<50000x4096xf32, #tpu.memory_space<hbm>>) target(%arg6 : memref<4x4096xf32, #tpu.memory_space<vmem>>) offsets(%dma_start3A_7 : memref<4xi32, #tpu.memory_space<vmem>>) semaphore(%arg13 : memref<!tpu.dma_semaphore, #tpu.memory_space<semaphore_mem>>)
    %dma_start3A_11 = arith.constant 1 : i32
    %dma_start3A_12 = arith.constant 0 : i32
    %dma_start3A_13 = tpu.memref_slice %arg5[%dma_start3A_11, %dma_start3A_12] : memref<64x4xi32, #tpu.memory_space<vmem>> -> memref<1x4xi32, #tpu.memory_space<vmem>>
    %dma_start3A_14 = tpu.memref_squeeze %dma_start3A_13 : memref<1x4xi32, #tpu.memory_space<vmem>> -> memref<4xi32, #tpu.memory_space<vmem>>
    %dma_start3A_15 = arith.constant 0 : i32
    %dma_start3A_16 = arith.constant 0 : i32
    %dma_start3A_17 = tpu.memref_slice %arg3[%dma_start3A_15, %dma_start3A_16] : memref<50000x4096xf32, #tpu.memory_space<hbm>> -> memref<50000x4096xf32, #tpu.memory_space<hbm>>
    tpu.enqueue_indirect_dma source(%dma_start3A_17 : memref<50000x4096xf32, #tpu.memory_space<hbm>>) target(%arg7 : memref<4x4096xf32, #tpu.memory_space<vmem>>) offsets(%dma_start3A_14 : memref<4xi32, #tpu.memory_space<vmem>>) semaphore(%arg14 : memref<!tpu.dma_semaphore, #tpu.memory_space<semaphore_mem>>)
    %dma_start3A_18 = arith.constant 2 : i32
    %dma_start3A_19 = arith.constant 0 : i32
    %dma_start3A_20 = tpu.memref_slice %arg5[%dma_start3A_18, %dma_start3A_19] : memref<64x4xi32, #tpu.memory_space<vmem>> -> memref<1x4xi32, #tpu.memory_space<vmem>>
    %dma_start3A_21 = tpu.memref_squeeze %dma_start3A_20 : memref<1x4xi32, #tpu.memory_space<vmem>> -> memref<4xi32, #tpu.memory_space<vmem>>
    %dma_start3A_22 = arith.constant 0 : i32
    %dma_start3A_23 = arith.constant 0 : i32
    %dma_start3A_24 = tpu.memref_slice %arg3[%dma_start3A_22, %dma_start3A_23] : memref<50000x4096xf32, #tpu.memory_space<hbm>> -> memref<50000x4096xf32, #tpu.memory_space<hbm>>
    tpu.enqueue_indirect_dma source(%dma_start3A_24 : memref<50000x4096xf32, #tpu.memory_space<hbm>>) target(%arg8 : memref<4x4096xf32, #tpu.memory_space<vmem>>) offsets(%dma_start3A_21 : memref<4xi32, #tpu.memory_space<vmem>>) semaphore(%arg15 : memref<!tpu.dma_semaphore, #tpu.memory_space<semaphore_mem>>)
    %dma_start3A_25 = arith.constant 3 : i32
    %dma_start3A_26 = arith.constant 0 : i32
    %dma_start3A_27 = tpu.memref_slice %arg5[%dma_start3A_25, %dma_start3A_26] : memref<64x4xi32, #tpu.memory_space<vmem>> -> memref<1x4xi32, #tpu.memory_space<vmem>>
    %dma_start3A_28 = tpu.memref_squeeze %dma_start3A_27 : memref<1x4xi32, #tpu.memory_space<vmem>> -> memref<4xi32, #tpu.memory_space<vmem>>
    %dma_start3A_29 = arith.constant 0 : i32
    %dma_start3A_30 = arith.constant 0 : i32
    %dma_start3A_31 = tpu.memref_slice %arg3[%dma_start3A_29, %dma_start3A_30] : memref<50000x4096xf32, #tpu.memory_space<hbm>> -> memref<50000x4096xf32, #tpu.memory_space<hbm>>
    tpu.enqueue_indirect_dma source(%dma_start3A_31 : memref<50000x4096xf32, #tpu.memory_space<hbm>>) target(%arg9 : memref<4x4096xf32, #tpu.memory_space<vmem>>) offsets(%dma_start3A_28 : memref<4xi32, #tpu.memory_space<vmem>>) semaphore(%arg16 : memref<!tpu.dma_semaphore, #tpu.memory_space<semaphore_mem>>)
    %scan3A = arith.constant 0 : i32
    %scan3A_32 = arith.constant 0 : i32
    %scan3A_33 = arith.constant 9 : i32
    %scan3A_34 = arith.addi %scan3A_32, %scan3A_33 : i32
    %scan3A_35 = arith.constant 1 : i32
    scf.for %scan3A_76 = %scan3A_32 to %scan3A_34 step %scan3A_35  : i32 {
      %mul3A_77 = arith.constant 7 : i32
      %mul3A_78 = arith.muli %scan3A_76, %mul3A_77 : i32
      %add3A_79 = arith.constant 0 : i32
      %add3A_80 = arith.addi %mul3A_78, %add3A_79 : i32
      %dma_wait3A_81 = arith.constant 0 : i32
      %dma_wait3A_82 = arith.constant 0 : i32
      %dma_wait3A_83 = tpu.memref_slice %arg3[%dma_wait3A_81, %dma_wait3A_82] : memref<50000x4096xf32, #tpu.memory_space<hbm>> -> memref<4x4096xf32, #tpu.memory_space<hbm>>
      %dma_wait3A_84 = arith.constant 0 : i32
      %dma_wait3A_85 = arith.constant 0 : i32
      %dma_wait3A_86 = tpu.memref_slice %arg3[%dma_wait3A_84, %dma_wait3A_85] : memref<50000x4096xf32, #tpu.memory_space<hbm>> -> memref<4x4096xf32, #tpu.memory_space<hbm>>
      tpu.wait_dma2 semaphore(%arg13 : memref<!tpu.dma_semaphore, #tpu.memory_space<semaphore_mem>>) src(%dma_wait3A_86 : memref<4x4096xf32, #tpu.memory_space<hbm>>) dst(%arg6 : memref<4x4096xf32, #tpu.memory_space<vmem>>)
      %mul3A_87 = arith.constant 4 : i32
      %mul3A_88 = arith.muli %add3A_80, %mul3A_87 : i32
      %add3A_89 = arith.addi %mul3A_2, %mul3A_88 : i32
      %dma_start3A_90 = arith.constant 0 : i32
      %dma_start3A_91 = tpu.memref_slice %arg4[%add3A_89, %dma_start3A_90] : memref<8192x4096xf32, #tpu.memory_space<hbm>> -> memref<4x4096xf32, #tpu.memory_space<hbm>>
      %dma_start3A_92 = arith.constant 0 : i32
      %dma_start3A_93 = tpu.memref_slice %arg4[%add3A_89, %dma_start3A_92] : memref<8192x4096xf32, #tpu.memory_space<hbm>> -> memref<4x4096xf32, #tpu.memory_space<hbm>>
      tpu.enqueue_dma source(%arg6 : memref<4x4096xf32, #tpu.memory_space<vmem>>) target(%dma_start3A_93 : memref<4x4096xf32, #tpu.memory_space<hbm>>) target_semaphore(%arg20 : memref<!tpu.dma_semaphore, #tpu.memory_space<semaphore_mem>>)
      %add3A_94 = arith.constant 4 : i32
      %add3A_95 = arith.addi %add3A_80, %add3A_94 : i32
      %lt3A = arith.constant 64 : i32
      %lt3A_96 = arith.cmpi slt, %add3A_95, %lt3A : i32
      %convert_element_type3A = arith.extui %lt3A_96 : i1 to i32
      %cond3A = arith.constant 0 : i32
      %cond3A_97 = arith.cmpi ne, %convert_element_type3A, %cond3A : i32
      scf.if %cond3A_97 {
        %ge3A = arith.constant 3 : i32
        %ge3A_242 = arith.cmpi sge, %add3A_80, %ge3A : i32
        %convert_element_type3A_243 = arith.extui %ge3A_242 : i1 to i32
        %cond3A_244 = arith.constant 0 : i32
        %cond3A_245 = arith.cmpi ne, %convert_element_type3A_243, %cond3A_244 : i32
        scf.if %cond3A_245 {
          %dma_wait3A_252 = arith.constant 0 : i32
          %dma_wait3A_253 = tpu.memref_slice %arg4[%mul3A_2, %dma_wait3A_252] : memref<8192x4096xf32, #tpu.memory_space<hbm>> -> memref<4x4096xf32, #tpu.memory_space<hbm>>
          %dma_wait3A_254 = arith.constant 0 : i32
          %dma_wait3A_255 = tpu.memref_slice %arg4[%mul3A_2, %dma_wait3A_254] : memref<8192x4096xf32, #tpu.memory_space<hbm>> -> memref<4x4096xf32, #tpu.memory_space<hbm>>
          tpu.wait_dma2 semaphore(%arg24 : memref<!tpu.dma_semaphore, #tpu.memory_space<semaphore_mem>>) src(%arg10 : memref<4x4096xf32, #tpu.memory_space<vmem>>) dst(%dma_wait3A_255 : memref<4x4096xf32, #tpu.memory_space<hbm>>)
        } else {
        }
        %dma_start3A_246 = arith.constant 0 : i32
        %dma_start3A_247 = tpu.memref_slice %arg5[%add3A_95, %dma_start3A_246] : memref<64x4xi32, #tpu.memory_space<vmem>> -> memref<1x4xi32, #tpu.memory_space<vmem>>
        %dma_start3A_248 = tpu.memref_squeeze %dma_start3A_247 : memref<1x4xi32, #tpu.memory_space<vmem>> -> memref<4xi32, #tpu.memory_space<vmem>>
        %dma_start3A_249 = arith.constant 0 : i32
        %dma_start3A_250 = arith.constant 0 : i32
        %dma_start3A_251 = tpu.memref_slice %arg3[%dma_start3A_249, %dma_start3A_250] : memref<50000x4096xf32, #tpu.memory_space<hbm>> -> memref<50000x4096xf32, #tpu.memory_space<hbm>>
        tpu.enqueue_indirect_dma source(%dma_start3A_251 : memref<50000x4096xf32, #tpu.memory_space<hbm>>) target(%arg10 : memref<4x4096xf32, #tpu.memory_space<vmem>>) offsets(%dma_start3A_248 : memref<4xi32, #tpu.memory_space<vmem>>) semaphore(%arg17 : memref<!tpu.dma_semaphore, #tpu.memory_space<semaphore_mem>>)
      } else {
      }
      %mul3A_98 = arith.constant 7 : i32
      %mul3A_99 = arith.muli %scan3A_76, %mul3A_98 : i32
      %add3A_100 = arith.constant 1 : i32
      %add3A_101 = arith.addi %mul3A_99, %add3A_100 : i32
      %dma_wait3A_102 = arith.constant 0 : i32
      %dma_wait3A_103 = arith.constant 0 : i32
      %dma_wait3A_104 = tpu.memref_slice %arg3[%dma_wait3A_102, %dma_wait3A_103] : memref<50000x4096xf32, #tpu.memory_space<hbm>> -> memref<4x4096xf32, #tpu.memory_space<hbm>>
      %dma_wait3A_105 = arith.constant 0 : i32
      %dma_wait3A_106 = arith.constant 0 : i32
      %dma_wait3A_107 = tpu.memref_slice %arg3[%dma_wait3A_105, %dma_wait3A_106] : memref<50000x4096xf32, #tpu.memory_space<hbm>> -> memref<4x4096xf32, #tpu.memory_space<hbm>>
      tpu.wait_dma2 semaphore(%arg14 : memref<!tpu.dma_semaphore, #tpu.memory_space<semaphore_mem>>) src(%dma_wait3A_107 : memref<4x4096xf32, #tpu.memory_space<hbm>>) dst(%arg7 : memref<4x4096xf32, #tpu.memory_space<vmem>>)
      %mul3A_108 = arith.constant 4 : i32
      %mul3A_109 = arith.muli %add3A_101, %mul3A_108 : i32
      %add3A_110 = arith.addi %mul3A_2, %mul3A_109 : i32
      %dma_start3A_111 = arith.constant 0 : i32
      %dma_start3A_112 = tpu.memref_slice %arg4[%add3A_110, %dma_start3A_111] : memref<8192x4096xf32, #tpu.memory_space<hbm>> -> memref<4x4096xf32, #tpu.memory_space<hbm>>
      %dma_start3A_113 = arith.constant 0 : i32
      %dma_start3A_114 = tpu.memref_slice %arg4[%add3A_110, %dma_start3A_113] : memref<8192x4096xf32, #tpu.memory_space<hbm>> -> memref<4x4096xf32, #tpu.memory_space<hbm>>
      tpu.enqueue_dma source(%arg7 : memref<4x4096xf32, #tpu.memory_space<vmem>>) target(%dma_start3A_114 : memref<4x4096xf32, #tpu.memory_space<hbm>>) target_semaphore(%arg21 : memref<!tpu.dma_semaphore, #tpu.memory_space<semaphore_mem>>)
      %add3A_115 = arith.constant 4 : i32
      %add3A_116 = arith.addi %add3A_101, %add3A_115 : i32
      %lt3A_117 = arith.constant 64 : i32
      %lt3A_118 = arith.cmpi slt, %add3A_116, %lt3A_117 : i32
      %convert_element_type3A_119 = arith.extui %lt3A_118 : i1 to i32
      %cond3A_120 = arith.constant 0 : i32
      %cond3A_121 = arith.cmpi ne, %convert_element_type3A_119, %cond3A_120 : i32
      scf.if %cond3A_121 {
        %ge3A = arith.constant 3 : i32
        %ge3A_242 = arith.cmpi sge, %add3A_101, %ge3A : i32
        %convert_element_type3A_243 = arith.extui %ge3A_242 : i1 to i32
        %cond3A_244 = arith.constant 0 : i32
        %cond3A_245 = arith.cmpi ne, %convert_element_type3A_243, %cond3A_244 : i32
        scf.if %cond3A_245 {
          %dma_wait3A_252 = arith.constant 0 : i32
          %dma_wait3A_253 = tpu.memref_slice %arg4[%mul3A_2, %dma_wait3A_252] : memref<8192x4096xf32, #tpu.memory_space<hbm>> -> memref<4x4096xf32, #tpu.memory_space<hbm>>
          %dma_wait3A_254 = arith.constant 0 : i32
          %dma_wait3A_255 = tpu.memref_slice %arg4[%mul3A_2, %dma_wait3A_254] : memref<8192x4096xf32, #tpu.memory_space<hbm>> -> memref<4x4096xf32, #tpu.memory_space<hbm>>
          tpu.wait_dma2 semaphore(%arg25 : memref<!tpu.dma_semaphore, #tpu.memory_space<semaphore_mem>>) src(%arg11 : memref<4x4096xf32, #tpu.memory_space<vmem>>) dst(%dma_wait3A_255 : memref<4x4096xf32, #tpu.memory_space<hbm>>)
        } else {
        }
        %dma_start3A_246 = arith.constant 0 : i32
        %dma_start3A_247 = tpu.memref_slice %arg5[%add3A_116, %dma_start3A_246] : memref<64x4xi32, #tpu.memory_space<vmem>> -> memref<1x4xi32, #tpu.memory_space<vmem>>
        %dma_start3A_248 = tpu.memref_squeeze %dma_start3A_247 : memref<1x4xi32, #tpu.memory_space<vmem>> -> memref<4xi32, #tpu.memory_space<vmem>>
        %dma_start3A_249 = arith.constant 0 : i32
        %dma_start3A_250 = arith.constant 0 : i32
        %dma_start3A_251 = tpu.memref_slice %arg3[%dma_start3A_249, %dma_start3A_250] : memref<50000x4096xf32, #tpu.memory_space<hbm>> -> memref<50000x4096xf32, #tpu.memory_space<hbm>>
        tpu.enqueue_indirect_dma source(%dma_start3A_251 : memref<50000x4096xf32, #tpu.memory_space<hbm>>) target(%arg11 : memref<4x4096xf32, #tpu.memory_space<vmem>>) offsets(%dma_start3A_248 : memref<4xi32, #tpu.memory_space<vmem>>) semaphore(%arg18 : memref<!tpu.dma_semaphore, #tpu.memory_space<semaphore_mem>>)
      } else {
      }
      %mul3A_122 = arith.constant 7 : i32
      %mul3A_123 = arith.muli %scan3A_76, %mul3A_122 : i32
      %add3A_124 = arith.constant 2 : i32
      %add3A_125 = arith.addi %mul3A_123, %add3A_124 : i32
      %dma_wait3A_126 = arith.constant 0 : i32
      %dma_wait3A_127 = arith.constant 0 : i32
      %dma_wait3A_128 = tpu.memref_slice %arg3[%dma_wait3A_126, %dma_wait3A_127] : memref<50000x4096xf32, #tpu.memory_space<hbm>> -> memref<4x4096xf32, #tpu.memory_space<hbm>>
      %dma_wait3A_129 = arith.constant 0 : i32
      %dma_wait3A_130 = arith.constant 0 : i32
      %dma_wait3A_131 = tpu.memref_slice %arg3[%dma_wait3A_129, %dma_wait3A_130] : memref<50000x4096xf32, #tpu.memory_space<hbm>> -> memref<4x4096xf32, #tpu.memory_space<hbm>>
      tpu.wait_dma2 semaphore(%arg15 : memref<!tpu.dma_semaphore, #tpu.memory_space<semaphore_mem>>) src(%dma_wait3A_131 : memref<4x4096xf32, #tpu.memory_space<hbm>>) dst(%arg8 : memref<4x4096xf32, #tpu.memory_space<vmem>>)
      %mul3A_132 = arith.constant 4 : i32
      %mul3A_133 = arith.muli %add3A_125, %mul3A_132 : i32
      %add3A_134 = arith.addi %mul3A_2, %mul3A_133 : i32
      %dma_start3A_135 = arith.constant 0 : i32
      %dma_start3A_136 = tpu.memref_slice %arg4[%add3A_134, %dma_start3A_135] : memref<8192x4096xf32, #tpu.memory_space<hbm>> -> memref<4x4096xf32, #tpu.memory_space<hbm>>
      %dma_start3A_137 = arith.constant 0 : i32
      %dma_start3A_138 = tpu.memref_slice %arg4[%add3A_134, %dma_start3A_137] : memref<8192x4096xf32, #tpu.memory_space<hbm>> -> memref<4x4096xf32, #tpu.memory_space<hbm>>
      tpu.enqueue_dma source(%arg8 : memref<4x4096xf32, #tpu.memory_space<vmem>>) target(%dma_start3A_138 : memref<4x4096xf32, #tpu.memory_space<hbm>>) target_semaphore(%arg22 : memref<!tpu.dma_semaphore, #tpu.memory_space<semaphore_mem>>)
      %add3A_139 = arith.constant 4 : i32
      %add3A_140 = arith.addi %add3A_125, %add3A_139 : i32
      %lt3A_141 = arith.constant 64 : i32
      %lt3A_142 = arith.cmpi slt, %add3A_140, %lt3A_141 : i32
      %convert_element_type3A_143 = arith.extui %lt3A_142 : i1 to i32
      %cond3A_144 = arith.constant 0 : i32
      %cond3A_145 = arith.cmpi ne, %convert_element_type3A_143, %cond3A_144 : i32
      scf.if %cond3A_145 {
        %ge3A = arith.constant 3 : i32
        %ge3A_242 = arith.cmpi sge, %add3A_125, %ge3A : i32
        %convert_element_type3A_243 = arith.extui %ge3A_242 : i1 to i32
        %cond3A_244 = arith.constant 0 : i32
        %cond3A_245 = arith.cmpi ne, %convert_element_type3A_243, %cond3A_244 : i32
        scf.if %cond3A_245 {
          %dma_wait3A_252 = arith.constant 0 : i32
          %dma_wait3A_253 = tpu.memref_slice %arg4[%mul3A_2, %dma_wait3A_252] : memref<8192x4096xf32, #tpu.memory_space<hbm>> -> memref<4x4096xf32, #tpu.memory_space<hbm>>
          %dma_wait3A_254 = arith.constant 0 : i32
          %dma_wait3A_255 = tpu.memref_slice %arg4[%mul3A_2, %dma_wait3A_254] : memref<8192x4096xf32, #tpu.memory_space<hbm>> -> memref<4x4096xf32, #tpu.memory_space<hbm>>
          tpu.wait_dma2 semaphore(%arg26 : memref<!tpu.dma_semaphore, #tpu.memory_space<semaphore_mem>>) src(%arg12 : memref<4x4096xf32, #tpu.memory_space<vmem>>) dst(%dma_wait3A_255 : memref<4x4096xf32, #tpu.memory_space<hbm>>)
        } else {
        }
        %dma_start3A_246 = arith.constant 0 : i32
        %dma_start3A_247 = tpu.memref_slice %arg5[%add3A_140, %dma_start3A_246] : memref<64x4xi32, #tpu.memory_space<vmem>> -> memref<1x4xi32, #tpu.memory_space<vmem>>
        %dma_start3A_248 = tpu.memref_squeeze %dma_start3A_247 : memref<1x4xi32, #tpu.memory_space<vmem>> -> memref<4xi32, #tpu.memory_space<vmem>>
        %dma_start3A_249 = arith.constant 0 : i32
        %dma_start3A_250 = arith.constant 0 : i32
        %dma_start3A_251 = tpu.memref_slice %arg3[%dma_start3A_249, %dma_start3A_250] : memref<50000x4096xf32, #tpu.memory_space<hbm>> -> memref<50000x4096xf32, #tpu.memory_space<hbm>>
        tpu.enqueue_indirect_dma source(%dma_start3A_251 : memref<50000x4096xf32, #tpu.memory_space<hbm>>) target(%arg12 : memref<4x4096xf32, #tpu.memory_space<vmem>>) offsets(%dma_start3A_248 : memref<4xi32, #tpu.memory_space<vmem>>) semaphore(%arg19 : memref<!tpu.dma_semaphore, #tpu.memory_space<semaphore_mem>>)
      } else {
      }
      %mul3A_146 = arith.constant 7 : i32
      %mul3A_147 = arith.muli %scan3A_76, %mul3A_146 : i32
      %add3A_148 = arith.constant 3 : i32
      %add3A_149 = arith.addi %mul3A_147, %add3A_148 : i32
      %dma_wait3A_150 = arith.constant 0 : i32
      %dma_wait3A_151 = arith.constant 0 : i32
      %dma_wait3A_152 = tpu.memref_slice %arg3[%dma_wait3A_150, %dma_wait3A_151] : memref<50000x4096xf32, #tpu.memory_space<hbm>> -> memref<4x4096xf32, #tpu.memory_space<hbm>>
      %dma_wait3A_153 = arith.constant 0 : i32
      %dma_wait3A_154 = arith.constant 0 : i32
      %dma_wait3A_155 = tpu.memref_slice %arg3[%dma_wait3A_153, %dma_wait3A_154] : memref<50000x4096xf32, #tpu.memory_space<hbm>> -> memref<4x4096xf32, #tpu.memory_space<hbm>>
      tpu.wait_dma2 semaphore(%arg16 : memref<!tpu.dma_semaphore, #tpu.memory_space<semaphore_mem>>) src(%dma_wait3A_155 : memref<4x4096xf32, #tpu.memory_space<hbm>>) dst(%arg9 : memref<4x4096xf32, #tpu.memory_space<vmem>>)
      %mul3A_156 = arith.constant 4 : i32
      %mul3A_157 = arith.muli %add3A_149, %mul3A_156 : i32
      %add3A_158 = arith.addi %mul3A_2, %mul3A_157 : i32
      %dma_start3A_159 = arith.constant 0 : i32
      %dma_start3A_160 = tpu.memref_slice %arg4[%add3A_158, %dma_start3A_159] : memref<8192x4096xf32, #tpu.memory_space<hbm>> -> memref<4x4096xf32, #tpu.memory_space<hbm>>
      %dma_start3A_161 = arith.constant 0 : i32
      %dma_start3A_162 = tpu.memref_slice %arg4[%add3A_158, %dma_start3A_161] : memref<8192x4096xf32, #tpu.memory_space<hbm>> -> memref<4x4096xf32, #tpu.memory_space<hbm>>
      tpu.enqueue_dma source(%arg9 : memref<4x4096xf32, #tpu.memory_space<vmem>>) target(%dma_start3A_162 : memref<4x4096xf32, #tpu.memory_space<hbm>>) target_semaphore(%arg23 : memref<!tpu.dma_semaphore, #tpu.memory_space<semaphore_mem>>)
      %add3A_163 = arith.constant 4 : i32
      %add3A_164 = arith.addi %add3A_149, %add3A_163 : i32
      %lt3A_165 = arith.constant 64 : i32
      %lt3A_166 = arith.cmpi slt, %add3A_164, %lt3A_165 : i32
      %convert_element_type3A_167 = arith.extui %lt3A_166 : i1 to i32
      %cond3A_168 = arith.constant 0 : i32
      %cond3A_169 = arith.cmpi ne, %convert_element_type3A_167, %cond3A_168 : i32
      scf.if %cond3A_169 {
        %ge3A = arith.constant 3 : i32
        %ge3A_242 = arith.cmpi sge, %add3A_149, %ge3A : i32
        %convert_element_type3A_243 = arith.extui %ge3A_242 : i1 to i32
        %cond3A_244 = arith.constant 0 : i32
        %cond3A_245 = arith.cmpi ne, %convert_element_type3A_243, %cond3A_244 : i32
        scf.if %cond3A_245 {
          %dma_wait3A_252 = arith.constant 0 : i32
          %dma_wait3A_253 = tpu.memref_slice %arg4[%mul3A_2, %dma_wait3A_252] : memref<8192x4096xf32, #tpu.memory_space<hbm>> -> memref<4x4096xf32, #tpu.memory_space<hbm>>
          %dma_wait3A_254 = arith.constant 0 : i32
          %dma_wait3A_255 = tpu.memref_slice %arg4[%mul3A_2, %dma_wait3A_254] : memref<8192x4096xf32, #tpu.memory_space<hbm>> -> memref<4x4096xf32, #tpu.memory_space<hbm>>
          tpu.wait_dma2 semaphore(%arg20 : memref<!tpu.dma_semaphore, #tpu.memory_space<semaphore_mem>>) src(%arg6 : memref<4x4096xf32, #tpu.memory_space<vmem>>) dst(%dma_wait3A_255 : memref<4x4096xf32, #tpu.memory_space<hbm>>)
        } else {
        }
        %dma_start3A_246 = arith.constant 0 : i32
        %dma_start3A_247 = tpu.memref_slice %arg5[%add3A_164, %dma_start3A_246] : memref<64x4xi32, #tpu.memory_space<vmem>> -> memref<1x4xi32, #tpu.memory_space<vmem>>
        %dma_start3A_248 = tpu.memref_squeeze %dma_start3A_247 : memref<1x4xi32, #tpu.memory_space<vmem>> -> memref<4xi32, #tpu.memory_space<vmem>>
        %dma_start3A_249 = arith.constant 0 : i32
        %dma_start3A_250 = arith.constant 0 : i32
        %dma_start3A_251 = tpu.memref_slice %arg3[%dma_start3A_249, %dma_start3A_250] : memref<50000x4096xf32, #tpu.memory_space<hbm>> -> memref<50000x4096xf32, #tpu.memory_space<hbm>>
        tpu.enqueue_indirect_dma source(%dma_start3A_251 : memref<50000x4096xf32, #tpu.memory_space<hbm>>) target(%arg6 : memref<4x4096xf32, #tpu.memory_space<vmem>>) offsets(%dma_start3A_248 : memref<4xi32, #tpu.memory_space<vmem>>) semaphore(%arg13 : memref<!tpu.dma_semaphore, #tpu.memory_space<semaphore_mem>>)
      } else {
      }
      %mul3A_170 = arith.constant 7 : i32
      %mul3A_171 = arith.muli %scan3A_76, %mul3A_170 : i32
      %add3A_172 = arith.constant 4 : i32
      %add3A_173 = arith.addi %mul3A_171, %add3A_172 : i32
      %dma_wait3A_174 = arith.constant 0 : i32
      %dma_wait3A_175 = arith.constant 0 : i32
      %dma_wait3A_176 = tpu.memref_slice %arg3[%dma_wait3A_174, %dma_wait3A_175] : memref<50000x4096xf32, #tpu.memory_space<hbm>> -> memref<4x4096xf32, #tpu.memory_space<hbm>>
      %dma_wait3A_177 = arith.constant 0 : i32
      %dma_wait3A_178 = arith.constant 0 : i32
      %dma_wait3A_179 = tpu.memref_slice %arg3[%dma_wait3A_177, %dma_wait3A_178] : memref<50000x4096xf32, #tpu.memory_space<hbm>> -> memref<4x4096xf32, #tpu.memory_space<hbm>>
      tpu.wait_dma2 semaphore(%arg17 : memref<!tpu.dma_semaphore, #tpu.memory_space<semaphore_mem>>) src(%dma_wait3A_179 : memref<4x4096xf32, #tpu.memory_space<hbm>>) dst(%arg10 : memref<4x4096xf32, #tpu.memory_space<vmem>>)
      %mul3A_180 = arith.constant 4 : i32
      %mul3A_181 = arith.muli %add3A_173, %mul3A_180 : i32
      %add3A_182 = arith.addi %mul3A_2, %mul3A_181 : i32
      %dma_start3A_183 = arith.constant 0 : i32
      %dma_start3A_184 = tpu.memref_slice %arg4[%add3A_182, %dma_start3A_183] : memref<8192x4096xf32, #tpu.memory_space<hbm>> -> memref<4x4096xf32, #tpu.memory_space<hbm>>
      %dma_start3A_185 = arith.constant 0 : i32
      %dma_start3A_186 = tpu.memref_slice %arg4[%add3A_182, %dma_start3A_185] : memref<8192x4096xf32, #tpu.memory_space<hbm>> -> memref<4x4096xf32, #tpu.memory_space<hbm>>
      tpu.enqueue_dma source(%arg10 : memref<4x4096xf32, #tpu.memory_space<vmem>>) target(%dma_start3A_186 : memref<4x4096xf32, #tpu.memory_space<hbm>>) target_semaphore(%arg24 : memref<!tpu.dma_semaphore, #tpu.memory_space<semaphore_mem>>)
      %add3A_187 = arith.constant 4 : i32
      %add3A_188 = arith.addi %add3A_173, %add3A_187 : i32
      %lt3A_189 = arith.constant 64 : i32
      %lt3A_190 = arith.cmpi slt, %add3A_188, %lt3A_189 : i32
      %convert_element_type3A_191 = arith.extui %lt3A_190 : i1 to i32
      %cond3A_192 = arith.constant 0 : i32
      %cond3A_193 = arith.cmpi ne, %convert_element_type3A_191, %cond3A_192 : i32
      scf.if %cond3A_193 {
        %ge3A = arith.constant 3 : i32
        %ge3A_242 = arith.cmpi sge, %add3A_173, %ge3A : i32
        %convert_element_type3A_243 = arith.extui %ge3A_242 : i1 to i32
        %cond3A_244 = arith.constant 0 : i32
        %cond3A_245 = arith.cmpi ne, %convert_element_type3A_243, %cond3A_244 : i32
        scf.if %cond3A_245 {
          %dma_wait3A_252 = arith.constant 0 : i32
          %dma_wait3A_253 = tpu.memref_slice %arg4[%mul3A_2, %dma_wait3A_252] : memref<8192x4096xf32, #tpu.memory_space<hbm>> -> memref<4x4096xf32, #tpu.memory_space<hbm>>
          %dma_wait3A_254 = arith.constant 0 : i32
          %dma_wait3A_255 = tpu.memref_slice %arg4[%mul3A_2, %dma_wait3A_254] : memref<8192x4096xf32, #tpu.memory_space<hbm>> -> memref<4x4096xf32, #tpu.memory_space<hbm>>
          tpu.wait_dma2 semaphore(%arg21 : memref<!tpu.dma_semaphore, #tpu.memory_space<semaphore_mem>>) src(%arg7 : memref<4x4096xf32, #tpu.memory_space<vmem>>) dst(%dma_wait3A_255 : memref<4x4096xf32, #tpu.memory_space<hbm>>)
        } else {
        }
        %dma_start3A_246 = arith.constant 0 : i32
        %dma_start3A_247 = tpu.memref_slice %arg5[%add3A_188, %dma_start3A_246] : memref<64x4xi32, #tpu.memory_space<vmem>> -> memref<1x4xi32, #tpu.memory_space<vmem>>
        %dma_start3A_248 = tpu.memref_squeeze %dma_start3A_247 : memref<1x4xi32, #tpu.memory_space<vmem>> -> memref<4xi32, #tpu.memory_space<vmem>>
        %dma_start3A_249 = arith.constant 0 : i32
        %dma_start3A_250 = arith.constant 0 : i32
        %dma_start3A_251 = tpu.memref_slice %arg3[%dma_start3A_249, %dma_start3A_250] : memref<50000x4096xf32, #tpu.memory_space<hbm>> -> memref<50000x4096xf32, #tpu.memory_space<hbm>>
        tpu.enqueue_indirect_dma source(%dma_start3A_251 : memref<50000x4096xf32, #tpu.memory_space<hbm>>) target(%arg7 : memref<4x4096xf32, #tpu.memory_space<vmem>>) offsets(%dma_start3A_248 : memref<4xi32, #tpu.memory_space<vmem>>) semaphore(%arg14 : memref<!tpu.dma_semaphore, #tpu.memory_space<semaphore_mem>>)
      } else {
      }
      %mul3A_194 = arith.constant 7 : i32
      %mul3A_195 = arith.muli %scan3A_76, %mul3A_194 : i32
      %add3A_196 = arith.constant 5 : i32
      %add3A_197 = arith.addi %mul3A_195, %add3A_196 : i32
      %dma_wait3A_198 = arith.constant 0 : i32
      %dma_wait3A_199 = arith.constant 0 : i32
      %dma_wait3A_200 = tpu.memref_slice %arg3[%dma_wait3A_198, %dma_wait3A_199] : memref<50000x4096xf32, #tpu.memory_space<hbm>> -> memref<4x4096xf32, #tpu.memory_space<hbm>>
      %dma_wait3A_201 = arith.constant 0 : i32
      %dma_wait3A_202 = arith.constant 0 : i32
      %dma_wait3A_203 = tpu.memref_slice %arg3[%dma_wait3A_201, %dma_wait3A_202] : memref<50000x4096xf32, #tpu.memory_space<hbm>> -> memref<4x4096xf32, #tpu.memory_space<hbm>>
      tpu.wait_dma2 semaphore(%arg18 : memref<!tpu.dma_semaphore, #tpu.memory_space<semaphore_mem>>) src(%dma_wait3A_203 : memref<4x4096xf32, #tpu.memory_space<hbm>>) dst(%arg11 : memref<4x4096xf32, #tpu.memory_space<vmem>>)
      %mul3A_204 = arith.constant 4 : i32
      %mul3A_205 = arith.muli %add3A_197, %mul3A_204 : i32
      %add3A_206 = arith.addi %mul3A_2, %mul3A_205 : i32
      %dma_start3A_207 = arith.constant 0 : i32
      %dma_start3A_208 = tpu.memref_slice %arg4[%add3A_206, %dma_start3A_207] : memref<8192x4096xf32, #tpu.memory_space<hbm>> -> memref<4x4096xf32, #tpu.memory_space<hbm>>
      %dma_start3A_209 = arith.constant 0 : i32
      %dma_start3A_210 = tpu.memref_slice %arg4[%add3A_206, %dma_start3A_209] : memref<8192x4096xf32, #tpu.memory_space<hbm>> -> memref<4x4096xf32, #tpu.memory_space<hbm>>
      tpu.enqueue_dma source(%arg11 : memref<4x4096xf32, #tpu.memory_space<vmem>>) target(%dma_start3A_210 : memref<4x4096xf32, #tpu.memory_space<hbm>>) target_semaphore(%arg25 : memref<!tpu.dma_semaphore, #tpu.memory_space<semaphore_mem>>)
      %add3A_211 = arith.constant 4 : i32
      %add3A_212 = arith.addi %add3A_197, %add3A_211 : i32
      %lt3A_213 = arith.constant 64 : i32
      %lt3A_214 = arith.cmpi slt, %add3A_212, %lt3A_213 : i32
      %convert_element_type3A_215 = arith.extui %lt3A_214 : i1 to i32
      %cond3A_216 = arith.constant 0 : i32
      %cond3A_217 = arith.cmpi ne, %convert_element_type3A_215, %cond3A_216 : i32
      scf.if %cond3A_217 {
        %ge3A = arith.constant 3 : i32
        %ge3A_242 = arith.cmpi sge, %add3A_197, %ge3A : i32
        %convert_element_type3A_243 = arith.extui %ge3A_242 : i1 to i32
        %cond3A_244 = arith.constant 0 : i32
        %cond3A_245 = arith.cmpi ne, %convert_element_type3A_243, %cond3A_244 : i32
        scf.if %cond3A_245 {
          %dma_wait3A_252 = arith.constant 0 : i32
          %dma_wait3A_253 = tpu.memref_slice %arg4[%mul3A_2, %dma_wait3A_252] : memref<8192x4096xf32, #tpu.memory_space<hbm>> -> memref<4x4096xf32, #tpu.memory_space<hbm>>
          %dma_wait3A_254 = arith.constant 0 : i32
          %dma_wait3A_255 = tpu.memref_slice %arg4[%mul3A_2, %dma_wait3A_254] : memref<8192x4096xf32, #tpu.memory_space<hbm>> -> memref<4x4096xf32, #tpu.memory_space<hbm>>
          tpu.wait_dma2 semaphore(%arg22 : memref<!tpu.dma_semaphore, #tpu.memory_space<semaphore_mem>>) src(%arg8 : memref<4x4096xf32, #tpu.memory_space<vmem>>) dst(%dma_wait3A_255 : memref<4x4096xf32, #tpu.memory_space<hbm>>)
        } else {
        }
        %dma_start3A_246 = arith.constant 0 : i32
        %dma_start3A_247 = tpu.memref_slice %arg5[%add3A_212, %dma_start3A_246] : memref<64x4xi32, #tpu.memory_space<vmem>> -> memref<1x4xi32, #tpu.memory_space<vmem>>
        %dma_start3A_248 = tpu.memref_squeeze %dma_start3A_247 : memref<1x4xi32, #tpu.memory_space<vmem>> -> memref<4xi32, #tpu.memory_space<vmem>>
        %dma_start3A_249 = arith.constant 0 : i32
        %dma_start3A_250 = arith.constant 0 : i32
        %dma_start3A_251 = tpu.memref_slice %arg3[%dma_start3A_249, %dma_start3A_250] : memref<50000x4096xf32, #tpu.memory_space<hbm>> -> memref<50000x4096xf32, #tpu.memory_space<hbm>>
        tpu.enqueue_indirect_dma source(%dma_start3A_251 : memref<50000x4096xf32, #tpu.memory_space<hbm>>) target(%arg8 : memref<4x4096xf32, #tpu.memory_space<vmem>>) offsets(%dma_start3A_248 : memref<4xi32, #tpu.memory_space<vmem>>) semaphore(%arg15 : memref<!tpu.dma_semaphore, #tpu.memory_space<semaphore_mem>>)
      } else {
      }
      %mul3A_218 = arith.constant 7 : i32
      %mul3A_219 = arith.muli %scan3A_76, %mul3A_218 : i32
      %add3A_220 = arith.constant 6 : i32
      %add3A_221 = arith.addi %mul3A_219, %add3A_220 : i32
      %dma_wait3A_222 = arith.constant 0 : i32
      %dma_wait3A_223 = arith.constant 0 : i32
      %dma_wait3A_224 = tpu.memref_slice %arg3[%dma_wait3A_222, %dma_wait3A_223] : memref<50000x4096xf32, #tpu.memory_space<hbm>> -> memref<4x4096xf32, #tpu.memory_space<hbm>>
      %dma_wait3A_225 = arith.constant 0 : i32
      %dma_wait3A_226 = arith.constant 0 : i32
      %dma_wait3A_227 = tpu.memref_slice %arg3[%dma_wait3A_225, %dma_wait3A_226] : memref<50000x4096xf32, #tpu.memory_space<hbm>> -> memref<4x4096xf32, #tpu.memory_space<hbm>>
      tpu.wait_dma2 semaphore(%arg19 : memref<!tpu.dma_semaphore, #tpu.memory_space<semaphore_mem>>) src(%dma_wait3A_227 : memref<4x4096xf32, #tpu.memory_space<hbm>>) dst(%arg12 : memref<4x4096xf32, #tpu.memory_space<vmem>>)
      %mul3A_228 = arith.constant 4 : i32
      %mul3A_229 = arith.muli %add3A_221, %mul3A_228 : i32
      %add3A_230 = arith.addi %mul3A_2, %mul3A_229 : i32
      %dma_start3A_231 = arith.constant 0 : i32
      %dma_start3A_232 = tpu.memref_slice %arg4[%add3A_230, %dma_start3A_231] : memref<8192x4096xf32, #tpu.memory_space<hbm>> -> memref<4x4096xf32, #tpu.memory_space<hbm>>
      %dma_start3A_233 = arith.constant 0 : i32
      %dma_start3A_234 = tpu.memref_slice %arg4[%add3A_230, %dma_start3A_233] : memref<8192x4096xf32, #tpu.memory_space<hbm>> -> memref<4x4096xf32, #tpu.memory_space<hbm>>
      tpu.enqueue_dma source(%arg12 : memref<4x4096xf32, #tpu.memory_space<vmem>>) target(%dma_start3A_234 : memref<4x4096xf32, #tpu.memory_space<hbm>>) target_semaphore(%arg26 : memref<!tpu.dma_semaphore, #tpu.memory_space<semaphore_mem>>)
      %add3A_235 = arith.constant 4 : i32
      %add3A_236 = arith.addi %add3A_221, %add3A_235 : i32
      %lt3A_237 = arith.constant 64 : i32
      %lt3A_238 = arith.cmpi slt, %add3A_236, %lt3A_237 : i32
      %convert_element_type3A_239 = arith.extui %lt3A_238 : i1 to i32
      %cond3A_240 = arith.constant 0 : i32
      %cond3A_241 = arith.cmpi ne, %convert_element_type3A_239, %cond3A_240 : i32
      scf.if %cond3A_241 {
        %ge3A = arith.constant 3 : i32
        %ge3A_242 = arith.cmpi sge, %add3A_221, %ge3A : i32
        %convert_element_type3A_243 = arith.extui %ge3A_242 : i1 to i32
        %cond3A_244 = arith.constant 0 : i32
        %cond3A_245 = arith.cmpi ne, %convert_element_type3A_243, %cond3A_244 : i32
        scf.if %cond3A_245 {
          %dma_wait3A_252 = arith.constant 0 : i32
          %dma_wait3A_253 = tpu.memref_slice %arg4[%mul3A_2, %dma_wait3A_252] : memref<8192x4096xf32, #tpu.memory_space<hbm>> -> memref<4x4096xf32, #tpu.memory_space<hbm>>
          %dma_wait3A_254 = arith.constant 0 : i32
          %dma_wait3A_255 = tpu.memref_slice %arg4[%mul3A_2, %dma_wait3A_254] : memref<8192x4096xf32, #tpu.memory_space<hbm>> -> memref<4x4096xf32, #tpu.memory_space<hbm>>
          tpu.wait_dma2 semaphore(%arg23 : memref<!tpu.dma_semaphore, #tpu.memory_space<semaphore_mem>>) src(%arg9 : memref<4x4096xf32, #tpu.memory_space<vmem>>) dst(%dma_wait3A_255 : memref<4x4096xf32, #tpu.memory_space<hbm>>)
        } else {
        }
        %dma_start3A_246 = arith.constant 0 : i32
        %dma_start3A_247 = tpu.memref_slice %arg5[%add3A_236, %dma_start3A_246] : memref<64x4xi32, #tpu.memory_space<vmem>> -> memref<1x4xi32, #tpu.memory_space<vmem>>
        %dma_start3A_248 = tpu.memref_squeeze %dma_start3A_247 : memref<1x4xi32, #tpu.memory_space<vmem>> -> memref<4xi32, #tpu.memory_space<vmem>>
        %dma_start3A_249 = arith.constant 0 : i32
        %dma_start3A_250 = arith.constant 0 : i32
        %dma_start3A_251 = tpu.memref_slice %arg3[%dma_start3A_249, %dma_start3A_250] : memref<50000x4096xf32, #tpu.memory_space<hbm>> -> memref<50000x4096xf32, #tpu.memory_space<hbm>>
        tpu.enqueue_indirect_dma source(%dma_start3A_251 : memref<50000x4096xf32, #tpu.memory_space<hbm>>) target(%arg9 : memref<4x4096xf32, #tpu.memory_space<vmem>>) offsets(%dma_start3A_248 : memref<4xi32, #tpu.memory_space<vmem>>) semaphore(%arg16 : memref<!tpu.dma_semaphore, #tpu.memory_space<semaphore_mem>>)
      } else {
      }
    }
    %scan3A_36 = arith.constant 9 : i32
    %dma_wait3A = arith.constant 0 : i32
    %dma_wait3A_37 = arith.constant 0 : i32
    %dma_wait3A_38 = tpu.memref_slice %arg3[%dma_wait3A, %dma_wait3A_37] : memref<50000x4096xf32, #tpu.memory_space<hbm>> -> memref<4x4096xf32, #tpu.memory_space<hbm>>
    %dma_wait3A_39 = arith.constant 0 : i32
    %dma_wait3A_40 = arith.constant 0 : i32
    %dma_wait3A_41 = tpu.memref_slice %arg3[%dma_wait3A_39, %dma_wait3A_40] : memref<50000x4096xf32, #tpu.memory_space<hbm>> -> memref<4x4096xf32, #tpu.memory_space<hbm>>
    tpu.wait_dma2 semaphore(%arg13 : memref<!tpu.dma_semaphore, #tpu.memory_space<semaphore_mem>>) src(%dma_wait3A_41 : memref<4x4096xf32, #tpu.memory_space<hbm>>) dst(%arg6 : memref<4x4096xf32, #tpu.memory_space<vmem>>)
    %add3A_42 = arith.constant 252 : i32
    %add3A_43 = arith.addi %mul3A_2, %add3A_42 : i32
    %dma_start3A_44 = arith.constant 0 : i32
    %dma_start3A_45 = tpu.memref_slice %arg4[%add3A_43, %dma_start3A_44] : memref<8192x4096xf32, #tpu.memory_space<hbm>> -> memref<4x4096xf32, #tpu.memory_space<hbm>>
    %dma_start3A_46 = arith.constant 0 : i32
    %dma_start3A_47 = tpu.memref_slice %arg4[%add3A_43, %dma_start3A_46] : memref<8192x4096xf32, #tpu.memory_space<hbm>> -> memref<4x4096xf32, #tpu.memory_space<hbm>>
    tpu.enqueue_dma source(%arg6 : memref<4x4096xf32, #tpu.memory_space<vmem>>) target(%dma_start3A_47 : memref<4x4096xf32, #tpu.memory_space<hbm>>) target_semaphore(%arg20 : memref<!tpu.dma_semaphore, #tpu.memory_space<semaphore_mem>>)
    %dma_wait3A_48 = arith.constant 0 : i32
    %dma_wait3A_49 = tpu.memref_slice %arg4[%mul3A_2, %dma_wait3A_48] : memref<8192x4096xf32, #tpu.memory_space<hbm>> -> memref<4x4096xf32, #tpu.memory_space<hbm>>
    %dma_wait3A_50 = arith.constant 0 : i32
    %dma_wait3A_51 = tpu.memref_slice %arg4[%mul3A_2, %dma_wait3A_50] : memref<8192x4096xf32, #tpu.memory_space<hbm>> -> memref<4x4096xf32, #tpu.memory_space<hbm>>
    tpu.wait_dma2 semaphore(%arg20 : memref<!tpu.dma_semaphore, #tpu.memory_space<semaphore_mem>>) src(%arg6 : memref<4x4096xf32, #tpu.memory_space<vmem>>) dst(%dma_wait3A_51 : memref<4x4096xf32, #tpu.memory_space<hbm>>)
    %dma_wait3A_52 = arith.constant 0 : i32
    %dma_wait3A_53 = tpu.memref_slice %arg4[%mul3A_2, %dma_wait3A_52] : memref<8192x4096xf32, #tpu.memory_space<hbm>> -> memref<4x4096xf32, #tpu.memory_space<hbm>>
    %dma_wait3A_54 = arith.constant 0 : i32
    %dma_wait3A_55 = tpu.memref_slice %arg4[%mul3A_2, %dma_wait3A_54] : memref<8192x4096xf32, #tpu.memory_space<hbm>> -> memref<4x4096xf32, #tpu.memory_space<hbm>>
    tpu.wait_dma2 semaphore(%arg21 : memref<!tpu.dma_semaphore, #tpu.memory_space<semaphore_mem>>) src(%arg7 : memref<4x4096xf32, #tpu.memory_space<vmem>>) dst(%dma_wait3A_55 : memref<4x4096xf32, #tpu.memory_space<hbm>>)
    %dma_wait3A_56 = arith.constant 0 : i32
    %dma_wait3A_57 = tpu.memref_slice %arg4[%mul3A_2, %dma_wait3A_56] : memref<8192x4096xf32, #tpu.memory_space<hbm>> -> memref<4x4096xf32, #tpu.memory_space<hbm>>
    %dma_wait3A_58 = arith.constant 0 : i32
    %dma_wait3A_59 = tpu.memref_slice %arg4[%mul3A_2, %dma_wait3A_58] : memref<8192x4096xf32, #tpu.memory_space<hbm>> -> memref<4x4096xf32, #tpu.memory_space<hbm>>
    tpu.wait_dma2 semaphore(%arg22 : memref<!tpu.dma_semaphore, #tpu.memory_space<semaphore_mem>>) src(%arg8 : memref<4x4096xf32, #tpu.memory_space<vmem>>) dst(%dma_wait3A_59 : memref<4x4096xf32, #tpu.memory_space<hbm>>)
    %dma_wait3A_60 = arith.constant 0 : i32
    %dma_wait3A_61 = tpu.memref_slice %arg4[%mul3A_2, %dma_wait3A_60] : memref<8192x4096xf32, #tpu.memory_space<hbm>> -> memref<4x4096xf32, #tpu.memory_space<hbm>>
    %dma_wait3A_62 = arith.constant 0 : i32
    %dma_wait3A_63 = tpu.memref_slice %arg4[%mul3A_2, %dma_wait3A_62] : memref<8192x4096xf32, #tpu.memory_space<hbm>> -> memref<4x4096xf32, #tpu.memory_space<hbm>>
    tpu.wait_dma2 semaphore(%arg23 : memref<!tpu.dma_semaphore, #tpu.memory_space<semaphore_mem>>) src(%arg9 : memref<4x4096xf32, #tpu.memory_space<vmem>>) dst(%dma_wait3A_63 : memref<4x4096xf32, #tpu.memory_space<hbm>>)
    %dma_wait3A_64 = arith.constant 0 : i32
    %dma_wait3A_65 = tpu.memref_slice %arg4[%mul3A_2, %dma_wait3A_64] : memref<8192x4096xf32, #tpu.memory_space<hbm>> -> memref<4x4096xf32, #tpu.memory_space<hbm>>
    %dma_wait3A_66 = arith.constant 0 : i32
    %dma_wait3A_67 = tpu.memref_slice %arg4[%mul3A_2, %dma_wait3A_66] : memref<8192x4096xf32, #tpu.memory_space<hbm>> -> memref<4x4096xf32, #tpu.memory_space<hbm>>
    tpu.wait_dma2 semaphore(%arg24 : memref<!tpu.dma_semaphore, #tpu.memory_space<semaphore_mem>>) src(%arg10 : memref<4x4096xf32, #tpu.memory_space<vmem>>) dst(%dma_wait3A_67 : memref<4x4096xf32, #tpu.memory_space<hbm>>)
    %dma_wait3A_68 = arith.constant 0 : i32
    %dma_wait3A_69 = tpu.memref_slice %arg4[%mul3A_2, %dma_wait3A_68] : memref<8192x4096xf32, #tpu.memory_space<hbm>> -> memref<4x4096xf32, #tpu.memory_space<hbm>>
    %dma_wait3A_70 = arith.constant 0 : i32
    %dma_wait3A_71 = tpu.memref_slice %arg4[%mul3A_2, %dma_wait3A_70] : memref<8192x4096xf32, #tpu.memory_space<hbm>> -> memref<4x4096xf32, #tpu.memory_space<hbm>>
    tpu.wait_dma2 semaphore(%arg25 : memref<!tpu.dma_semaphore, #tpu.memory_space<semaphore_mem>>) src(%arg11 : memref<4x4096xf32, #tpu.memory_space<vmem>>) dst(%dma_wait3A_71 : memref<4x4096xf32, #tpu.memory_space<hbm>>)
    %dma_wait3A_72 = arith.constant 0 : i32
    %dma_wait3A_73 = tpu.memref_slice %arg4[%mul3A_2, %dma_wait3A_72] : memref<8192x4096xf32, #tpu.memory_space<hbm>> -> memref<4x4096xf32, #tpu.memory_space<hbm>>
    %dma_wait3A_74 = arith.constant 0 : i32
    %dma_wait3A_75 = tpu.memref_slice %arg4[%mul3A_2, %dma_wait3A_74] : memref<8192x4096xf32, #tpu.memory_space<hbm>> -> memref<4x4096xf32, #tpu.memory_space<hbm>>
    tpu.wait_dma2 semaphore(%arg26 : memref<!tpu.dma_semaphore, #tpu.memory_space<semaphore_mem>>) src(%arg12 : memref<4x4096xf32, #tpu.memory_space<vmem>>) dst(%dma_wait3A_75 : memref<4x4096xf32, #tpu.memory_space<hbm>>)
    return
  }
}

</mosaic_0001>

<sc_bundles>
// kernel: kernel.3.cloned.1.call-start
scs
__scs_entry_jumppad:
0x0: {  	(pc) =	sbr.rel $0x88, $3  }
0x1: {  	(tag) =	ssettag $0x0;
	lr =	simm.s32 $0x1  }
0x2: {  	[smem:$0x3F9F] =	sst lr;
	_ =	strace $0xD0000000  }
0x3: {  	_ = 	snop  }
0x4: {  	_ = 	snop  }
0x5: {  	_ = 	snop  }
0x6: {  	_ = 	snop  }
0x7: {  	_ = 	snop  }
__scs_overlays_trampoline_lowered:
0x8: {  	[smem:$0x3FAE] =	sst s0  }
0x9: {  	[smem:$0x3FAF] =	sst s1  }
0xa: {  	[smem:$0x3FB0] =	sst s2  }
0xb: {  	[smem:$0x3FB1] =	sst s3  }
0xc: {  	[smem:$0x3FB2] =	sst s4  }
0xd: {  	[smem:$0x3FB3] =	sst s5  }
0xe: {  	[smem:$0x3FB4] =	sst s6  }
0xf: {  	[smem:$0x3FB5] =	sst s7  }
0x10: {  	[smem:$0x3FB6] =	sst s8  }
0x11: {  	[smem:$0x3FB7] =	sst s9;
	s0 =	simm.s32 @!p0 $0x0  }
0x12: {  	s1 =	sld [smem:$0x3F9D];
	s0 =	simm.s32 @p0 $0x1  }
0x13: {  	[smem:$0x3FB8] =	sst s0;
	s0 =	simm.s32 @!p1 $0x0  }
0x14: {  	s2 =	sld [smem:$0x3F9C];
	s0 =	simm.s32 @p1 $0x1  }
0x15: {  	[smem:$0x3FB9] =	sst s0;
	s0 =	simm.s32 @!p2 $0x0  }
0x16: {  	s3 =	sld [smem:$0x3FDB];
	s0 =	simm.s32 @p2 $0x1  }
0x17: {  	s4 =	simm.s32 $0x1BF5;
	[smem:$0x3FBB] =	sst s0  }
0x18: {  	s0 =	sld [smem:$0x3F9E];
	_ =	swait.ge [sflag:s4], $0x0  }
0x19: {  	s7 =	sld [smem:$0x3F9F]  }
0x1a: {  	s8 =	sadd.s32 $0xFFFFE003, lr  }
0x1b: {  	s9 =	sadd.s32 $0xFFFFFEF7, lr;
	s5 =	simm.s32 $0xFFFFFFFF;
	p2 =	slt.u32 s8, $0xFFFFF086  }
0x1c: {  	p1 =	slt.u32 s9, $0xF7A;
	s5 =	simm.s32 @!p2 $0x0  }
0x1d: {  	s5 =	simm.s32 @p1 $0x1;
	p0 =	seq.s32 s7, s2  }
0x1e: {  	s7 =	smul.u32 @!p0 $0xF7A, s2;
	p2 =	seq.s32 @!p0 s5, $0x0  }
0x1f: {  	s9 =	smul.u32 $0xF7A, s1;
	s8 =	simm.s32 @!p0 $0x1BF5;
	p2 =	por !p2, p0  }
0x20: {  	[sflag:s8] =	ssyncset.s32 @!p0 $0xFFFFF086;
	s6 =	sadd.s32 @!p0 s3, s7;
	s7 =	simm.s32 @!p0 $0x108  }
0x21: {  	s3 =	sadd.s32 s3, s9;
	s6 =	sadd.s32 @!p0 $0x88, s6;
	s7 =	simm.s32 @p2 $0x1082  }
0x22: {  	[simem:s7], [sflag:s8] =	dma.local @!p0 [hbm:s6], $0xF7A  }
0x23: {  	s9 =	sor.u32 $0xD0000000, s2;
	s6 =	simm.s32 $0x108;
	_ =	swait.ge @!p0 [sflag:s8], $0x0  }
0x24: {  	s3 =	sadd.s32 $0x88, s3;
	s6 =	simm.s32 @!p1 $0x1082;
	[sflag:s4] =	ssyncset.s32 $0xFFFFF086  }
0x25: {  	[simem:s6], [sflag:s4] =	dma.local [hbm:s3], $0xF7A  }
0x26: {  	[smem:$0x3F9F] =	sst s1;
	(tag) =	ssettag s2;
	_ =	strace s9  }
0x27: {  	s1 =	sld [smem:$0x3FAF]  }
0x28: {  	s2 =	sld [smem:$0x3FB0]  }
0x29: {  	s4 =	sld [smem:$0x3FB2]  }
0x2a: {  	p0 =	seq.s32 s5, $0x0;
	s5 =	sld [smem:$0x3FB3]  }
0x2b: {  	s6 =	sld [smem:$0x3FB4]  }
0x2c: {  	s7 =	sld [smem:$0x3FB5]  }
0x2d: {  	s3 =	simm.s32 $0x108;
	s8 =	sld [smem:$0x3FB6]  }
0x2e: {  	s3 =	simm.s32 @!p0 $0x1082;
	s9 =	sld [smem:$0x3FB7]  }
0x2f: {  	lr =	sadd.s32 s0, s3;
	s0 =	sld [smem:$0x3FAE]  }
0x30: {  	s3 =	sld [smem:$0x3FB1]  }
0x31: {  	[smem:$0x3FBA] =	sst s10  }
0x32: {  	s10 =	sld [smem:$0x3FB8];
	_ =	sdelay $0x3  }
0x33: {  	p0 =	seq.s32 s10, $0x1;
	s10 =	sld [smem:$0x3FBA];
	_ =	sdelay $0x3  }
0x34: {  	[smem:$0x3FBA] =	sst s10  }
0x35: {  	s10 =	sld [smem:$0x3FB9];
	_ =	sdelay $0x3  }
0x36: {  	p1 =	seq.s32 s10, $0x1;
	s10 =	sld [smem:$0x3FBA];
	_ =	sdelay $0x3  }
0x37: {  	[smem:$0x3FBA] =	sst s10  }
0x38: {  	s10 =	sld [smem:$0x3FBB]  }
0x39: {  	_ = 	snop;
	(pc) =	sbr.ind lr, $3  }
0x3a: {  	_ = 	snop  }
0x3b: {  	_ = 	snop  }
0x3c: {  	p2 =	seq.s32 s10, $0x1;
	s10 =	sld [smem:$0x3FBA]  }
0x3d: {  	_ =	shalt  }
0x3e: {  	_ =	shalt  }
0x3f: {  	_ =	shalt  }
0x40: {  	_ =	shalt  }
0x41: {  	_ =	shalt  }
0x42: {  	_ =	shalt  }
0x43: {  	_ =	shalt  }
0x44: {  	_ =	shalt  }
0x45: {  	_ =	shalt  }
0x46: {  	_ =	shalt  }
0x47: {  	_ =	shalt  }
0x48: {  	_ =	shalt  }
0x49: {  	_ =	shalt  }
0x4a: {  	_ =	shalt  }
0x4b: {  	_ =	shalt  }
0x4c: {  	_ =	shalt  }
0x4d: {  	_ =	shalt  }
0x4e: {  	_ =	shalt  }
0x4f: {  	_ =	shalt  }
0x50: {  	_ =	shalt  }
0x51: {  	_ =	shalt  }
0x52: {  	_ =	shalt  }
0x53: {  	_ =	shalt  }
0x54: {  	_ =	shalt  }
0x55: {  	_ =	shalt  }
0x56: {  	_ =	shalt  }
0x57: {  	_ =	shalt  }
0x58: {  	_ =	shalt  }
0x59: {  	_ =	shalt  }
0x5a: {  	_ =	shalt  }
0x5b: {  	_ =	shalt  }
0x5c: {  	_ =	shalt  }
0x5d: {  	_ =	shalt  }
0x5e: {  	_ =	shalt  }
0x5f: {  	_ =	shalt  }
0x60: {  	_ =	shalt  }
0x61: {  	_ =	shalt  }
0x62: {  	_ =	shalt  }
0x63: {  	_ =	shalt  }
0x64: {  	_ =	shalt  }
0x65: {  	_ =	shalt  }
0x66: {  	_ =	shalt  }
0x67: {  	_ =	shalt  }
0x68: {  	_ =	shalt  }
0x69: {  	_ =	shalt  }
0x6a: {  	_ =	shalt  }
0x6b: {  	_ =	shalt  }
0x6c: {  	_ =	shalt  }
0x6d: {  	_ =	shalt  }
0x6e: {  	_ =	shalt  }
0x6f: {  	_ =	shalt  }
0x70: {  	_ =	shalt  }
0x71: {  	_ =	shalt  }
0x72: {  	_ =	shalt  }
0x73: {  	_ =	shalt  }
0x74: {  	_ =	shalt  }
0x75: {  	_ =	shalt  }
0x76: {  	_ =	shalt  }
0x77: {  	_ =	shalt  }
0x78: {  	_ =	shalt  }
0x79: {  	_ =	shalt  }
0x7a: {  	_ =	shalt  }
0x7b: {  	_ =	shalt  }
0x7c: {  	_ =	shalt  }
0x7d: {  	_ =	shalt  }
0x7e: {  	_ =	shalt  }
0x7f: {  	_ =	shalt  }
0x80: {  	_ =	shalt  }
0x81: {  	_ =	shalt  }
0x82: {  	_ =	shalt  }
0x83: {  	_ =	shalt  }
0x84: {  	_ =	shalt  }
0x85: {  	_ =	shalt  }
0x86: {  	_ =	shalt  }
0x87: {  	_ =	shalt  }
.Lfunc_end0:
.L_simem_size_0:
called_computation_lowered:
.L_overlay_start_0:
0x88: {  	s2 =	sld [smem:$0x3FD9]  }
0x89: {  	s3 =	sld [smem:$0x3FFE];
	_ =	sdelay $0x1  }
0x8a: {  	s1 =	srdreg.scid  }
0x8b: {  	s0 =	sand.u32 $0x1, s1  }
0x8c: {  	s17 =	sshll.u32 s0, $0xA;
	s2 =	sadd.s32 s3, s2  }
0x8d: {  	s2 =	sadd.s32 s2, s17  }
0x8e: {  	[smem:$0x3FC6] =	sst s2  }
0x8f: {  	_ = 	snop  }
0x90: {  	s2 =	sld [smem:$0x3FC8]  }
0x91: {  	s18 =	sld [smem:$0x3FD0];
	(tm) =	ssettm $0x1  }
0x92: {  	s4 =	sld [smem:$0x3FFB];
	_ =	sdelay $0x3  }
0x93: {  	_ =	strace s4  }
0x94: {  	s4 =	sld [smem:$0x3FFC];
	_ =	sdelay $0x3  }
0x95: {  	_ =	strace s4  }
0x96: {  	s4 =	sld [smem:$0x3FFD];
	_ =	sdelay $0x3  }
0x97: {  	_ =	strace s4  }
0x98: {  	_ =	strace $0x8FFFFFFF  }
0x99: {  	s19 =	sld [smem:$0x3FDB];
	_ =	sdelay $0x1  }
0x9a: {  	s5 =	simm.s32 $_scs_section_size  }
0x9b: {  	s6 =	simm.s32 $_size__tile_overlayer_lowered;
	s7 =	simm.s32 $_tile_overlayer_lowered  }
0x9c: {  	s22 =	simm.s32 $0x1BFF;
	s21 =	sshll.u32 s7, $0x1;
	s4 =	sadd.s32 s5, s19  }
0x9d: {  	s8 =	simm.s32 $0x0;
	s20 =	sshll.u32 s6, $0x1;
	s6 =	sadd.s32 s21, s4  }
0x9e: {  	[timem:s8], [sflag:s22] =	dma.local [hbm:s6], s20  }
0x9f: {  	_ =	swait.ge [sflag:s22], s20  }
0xa0: {  	s5 =	ssub.s32 $0x0, s20;
	[sflag:s22] =	ssyncset.done $0x0  }
0xa1: {  	[sflag:s22] =	ssyncadd.s32 s5;
	_ =	sdelay $0x1  }
0xa2: {  	s23 =	simm.s32 $0x1B8B  }
0xa3: {  	_ =	swait.ge [sflag:s23], $0x1  }
0xa4: {  	[sflag:s23] =	ssyncset.done $0x0  }
0xa5: {  	s25 =	simm.s32 $0x1B8E;
	s24 =	sld [smem:$0x3FFE];
	[sflag:s23] =	ssyncadd.s32 $0xFFFFFFFF  }
0xa6: {  	s26 =	simm.s32 $execute0_lowered;
	[smem:$0x3FD2] =	sst s25  }
0xa7: {  	s6 =	sshll.u32 s26, $0x1;
	_ =	strace $0x80000046;
	[dreg:$0x1] =	wrdreg $0xFFFFFFFF  }
0xa8: {  	s28 =	simm.s32 $_size_execute0_lowered;
	s4 =	sadd.s32 s4, s6;
	[dreg:$0x0] =	wrdreg $0x0  }
0xa9: {  	s6 =	sshll.u32 s28, $0x1;
	[dreg:$0x2] =	wrdreg s4  }
0xaa: {  	[dreg:$0x3] =	wrdreg s6  }
0xab: {  	[dreg:$0x4] =	wrdreg $0xC0  }
0xac: {  	_ =	task [dreg:s8], $0x5FFFF  }
0xad: {  	[dreg:$0x1] =	wrdreg $0xFFFFFFFF  }
0xae: {  	[dreg:$0x0] =	wrdreg $0x60  }
0xaf: {  	[dreg:$0x2] =	wrdreg s24  }
0xb0: {  	[dreg:$0x3] =	wrdreg s2  }
0xb1: {  	[dreg:$0x4] =	wrdreg s18  }
0xb2: {  	[dreg:$0x5] =	wrdreg $0x9  }
0xb3: {  	_ =	task.clear_ibuf [dreg:s8], $0x6FFFF;
	_ =	strace $0x90000046  }
0xb4: {  	s29 =	simm.s32 $0x9;
	_ =	strace $0x80000048  }
0xb5: {  	_ =	swait.ge [sflag:s29], $0x1  }
0xb6: {  	[sflag:s29] =	ssyncadd.s32 $0xFFFFFFFF  }
0xb7: {  	_ =	strace $0x90000048  }
0xb8: {  	_ =	sfence  }
0xb9: {  	s30 =	sld [smem:$0x0];
	_ =	sdelay $0x2  }
0xba: {  	s31 =	sshll.u32 s1, $0xD;
	s1 =	sshrl.u32 s1, $0x2  }
0xbb: {  	s3 =	sand.u32 $0x4000, s31;
	s1 =	sadd.s32 s1, s30  }
0xbc: {  	s0 =	sor.u32 s3, s0;
	s1 =	sshll.u32 s1, $0x11  }
0xbd: {  	s0 =	sor.u32 s1, s0  }
0xbe: {  	s0 =	sadd.s32 $0x8F2B, s0  }
0xbf: {  	[sflag:s0] =	ssyncadd.remote.s32 $0x1  }
0xc0: {  	_ =	sfence.sel $0xFFFF  }
0xc1: {  	[dreg:$0x0] =	wrdreg $0xFFFFFFFF;
	(pc) =	sbr.abs _section_cstart, $3  }
0xc2: {  	[dreg:$0x1] =	wrdreg $0xFFFFFFFF  }
0xc3: {  	_ =	task.clear_ibuf [dreg:s8], $0x2FFFF;
	_ =	strace $0x9FFFFFFF  }
0xc4: {  	(tm) =	ssettm $0x7FFFFFFF  }
0xc5: {  	_ =	shalt  }
tec
execute0_lowered:
.L_overlay_start_1:
0x0: {  	(tag) =	ssettag $0x1  }
0x1: {  	s0 =	rddreg [dreg:$0x0]  }
0x2: {  	s2 =	rddreg [dreg:$0x1];
	s1 =	srdreg.scid  }
0x3: {  	s14 =	stileid.u32;
	s3 =	rddreg [dreg:$0x2]  }
0x4: {  	s4 =	simm.s32 $0x0;
	s16 =	simm.s32 $0x200;
	s18 =	simm.s32 $0x400  }
0x5: {  	s22 =	simm.s32 $0x3;
	s20 =	simm.s32 $0x8;
	s21 =	simm.s32 $0x5  }
0x6: {  	s24 =	simm.s32 $0x6;
	s30 =	simm.s32 $0xB;
	s31 =	simm.s32 $0x12000  }
0x7: {  	s23 =	simm.s32 $0x1A000;
	s1 =	sand.u32 $0x1, s1;
	s5 =	sshll.u32 s14, $0x1  }
0x8: {  	[smem:$0x7FF] =	sst s4;
	s8 =	sadd.s32 $0x600, s2;
	s9 =	sadd.s32 $0x800, s2  }
0x9: {  	s10 =	sadd.s32 $0xA00, s2;
	s11 =	sadd.s32 $0xC00, s2;
	s12 =	sadd.s32 $0xE00, s2  }
0xa: {  	s29 =	sshll.u32 s14, $0x12;
	s14 =	simm.s32 $0x0;
	s5 =	sor.u32 s1, s5  }
0xb: {  	s7 =	ssub.s32 $0x2, s1;
	_ =	strace $0x80000047;
	s1 =	sshll.u32 s1, $0x11  }
0xc: {  	s6 =	sshll.u32 s5, $0xA;
	s25 =	sshrl.u32 s7, $0x1;
	s26 =	sshll.u32 s5, $0x11  }
0xd: {  	s5 =	simm.s32 $0xE000;
	s0 =	sadd.s32 s6, s0;
	s13 =	ssub.s32 s7, s25  }
.Ltmp0:
0xe: {  	s6 =	sadd.s32 $0x200, s2;
	s0 =	sadd.s32 $0x400, s0;
	(pc) =	sbr.rel .LBB2_1-.Ltmp0, $4  }
0xf: {  	s28 =	smax.u32 s13, $0x1;
	[dreg:$0x4] =	wrdreg s0;
	s0 =	sadd.s32 s26, s3  }
0x10: {  	v0 =	vlaneseq.u32;
	s7 =	sadd.s32 $0x400, s2;
	[dreg:$0x6] =	wrdreg s28;
	s0 =	sadd.s32 $0x1F040, s0  }
0x11: {  	v1 =	vshrl.u32 v0, $0x2;
	s25 =	simm.s32 $0x7;
	[dreg:$0x5] =	wrdreg s0;
	s0 =	sor.u32 s1, s29  }
0x12: {  	vm0 =	vmmov $0xffff;
	v0 =	vand.u32 $0x3, v0;
	v1 =	vmul.u32 $0x8, v1;
	s13 =	simm.s32 $0x4;
	s1 =	simm.s32 $0x2000;
	[dreg:$0x7] =	wrdreg s0  }
.LBB2_4:
0x13: {  	s0 =	simm.s32 $0x1  }
0x14: {  	_ =	swait.ge [sflag:s0], $0x4000  }
0x15: {  	[sflag:s0] =	ssyncset.done $0x0  }
0x16: {  	s1 =	simm.s32 $0x2000;
	s15 =	rddreg [dreg:$0x5];
	[sflag:s0] =	ssyncadd.s32 $0xFFFFC000  }
0x17: {  	[hbm4b:s15+s16] =	stream.strided.scatter [tilespmem:s1], [sflag:$0x8], $0x4000, s18, s16, $0x38;
	[tilespmem:$0x1E000] =	vst v63  }
0x18: {  	_ =	swait.ge [sflag:s20], $0x4000  }
0x19: {  	[sflag:s20] =	ssyncset.done $0x0  }
0x1a: {  	s17 =	simm.s32 $0x9;
	[sflag:s20] =	ssyncadd.s32 $0xFFFFC000  }
0x1b: {  	_ =	swait.ge [sflag:s17], $0x4000  }
0x1c: {  	[sflag:s17] =	ssyncset.done $0x0  }
0x1d: {  	s19 =	simm.s32 $0xA;
	[sflag:s17] =	ssyncadd.s32 $0xFFFFC000  }
0x1e: {  	_ =	swait.ge [sflag:s19], $0x4000  }
0x1f: {  	[sflag:s19] =	ssyncset.done $0x0  }
0x20: {  	[sflag:s19] =	ssyncadd.s32 $0xFFFFC000  }
0x21: {  	_ =	swait.ge [sflag:s30], $0x4000  }
0x22: {  	[sflag:s30] =	ssyncset.done $0x0  }
0x23: {  	s26 =	simm.s32 $0xC;
	[sflag:s30] =	ssyncadd.s32 $0xFFFFC000  }
0x24: {  	_ =	swait.ge [sflag:s26], $0x4000  }
0x25: {  	[sflag:s26] =	ssyncset.done $0x0  }
0x26: {  	s28 =	simm.s32 $0xD;
	[sflag:s26] =	ssyncadd.s32 $0xFFFFC000  }
0x27: {  	_ =	swait.ge [sflag:s28], $0x4000  }
0x28: {  	[sflag:s28] =	ssyncset.done $0x0  }
0x29: {  	s5 =	simm.s32 $0xE;
	[sflag:s28] =	ssyncadd.s32 $0xFFFFC000  }
0x2a: {  	_ =	swait.ge [sflag:s5], $0x4000  }
0x2b: {  	s14 =	rddreg [dreg:$0x8]  }
0x2c: {  	s29 =	rddreg [dreg:$0x6];
	s14 =	sadd.s32 $0x1, s14  }
0x2d: {  	p0 =	sne.s32 s14, s29  }
.Ltmp1:
0x2e: {  	_ = 	snop;
	(pc) =	sbr.rel @!p0 .LBB2_5-.Ltmp1, $3  }
0x2f: {  	_ =	sdelay $0x1  }
0x30: {  	[sflag:s5] =	ssyncset.done $0x0  }
0x31: {  	[sflag:s5] =	ssyncadd.s32 $0xFFFFC000;
	s5 =	simm.s32 $0xE000  }
.LBB2_1:
0x32: {  	[dreg:$0x8] =	wrdreg s14  }
0x33: {  	s0 =	rddreg [dreg:$0x4];
	s26 =	simm.s32 $0xF  }
0x34: {  	[tilespmem:s4], [sflag:$0xF] =	stream.linear.gather [hbm4b:s0+s4], $0x2000, $0x38;
	[tilespmem:$0x1E000] =	vst v63  }
0x35: {  	_ =	swait.ge [sflag:s26], $0x2000  }
0x36: {  	[sflag:s26] =	ssyncset.done $0x0  }
0x37: {  	[sflag:s26] =	ssyncadd.s32 $0xFFFFE000  }
0x38: {  	v2 =	vld.msk [tilespmem:$0x0], $0xf;
	_ =	sdelay $0x4  }
0x39: {  	v3 =	vshll.u32 v2, $0x5  }
0x3a: {  	v2 =	vand.u32 $0x7, v2;
	v3 =	vand.u32 $0xFFFFFF00, v3  }
0x3b: {  	v2 =	vor.u32 v2, v3  }
0x3c: {  	v2 =	vperm.xlane v2, v0;
	_ =	sdelay $0x1  }
0x3d: {  	v2 =	vadd.s32 v1, v2;
	_ =	sdelay $0x4  }
0x3e: {  	[tilespmem:s1], [sflag:$0x1] =	stream.indirect_vreg.gather [hbm4b:s2+s4], $0x80, v2, vm0, $0xb8;
	[tilespmem:$0x1E000] =	vst v63  }
0x3f: {  	s29 =	simm.s32 $0x2800  }
0x40: {  	[tilespmem:s29], [sflag:$0x1] =	stream.indirect_vreg.gather [hbm4b:s6+s4], $0x80, v2, vm0, $0xb8;
	[tilespmem:$0x1E000] =	vst v63  }
0x41: {  	s1 =	simm.s32 $0x3000  }
0x42: {  	[tilespmem:s1], [sflag:$0x1] =	stream.indirect_vreg.gather [hbm4b:s7+s4], $0x80, v2, vm0, $0xb8;
	[tilespmem:$0x1E000] =	vst v63  }
0x43: {  	s14 =	simm.s32 $0x3800  }
0x44: {  	[tilespmem:s14], [sflag:$0x1] =	stream.indirect_vreg.gather [hbm4b:s8+s4], $0x80, v2, vm0, $0xb8;
	[tilespmem:$0x1E000] =	vst v63  }
0x45: {  	s15 =	simm.s32 $0x4000  }
0x46: {  	[tilespmem:s15], [sflag:$0x1] =	stream.indirect_vreg.gather [hbm4b:s9+s4], $0x80, v2, vm0, $0xb8;
	[tilespmem:$0x1E000] =	vst v63  }
0x47: {  	s17 =	simm.s32 $0x4800  }
0x48: {  	[tilespmem:s17], [sflag:$0x1] =	stream.indirect_vreg.gather [hbm4b:s10+s4], $0x80, v2, vm0, $0xb8;
	[tilespmem:$0x1E000] =	vst v63  }
0x49: {  	s19 =	simm.s32 $0x5000  }
0x4a: {  	[tilespmem:s19], [sflag:$0x1] =	stream.indirect_vreg.gather [hbm4b:s11+s4], $0x80, v2, vm0, $0xb8;
	[tilespmem:$0x1E000] =	vst v63  }
0x4b: {  	s26 =	simm.s32 $0x5800  }
0x4c: {  	[tilespmem:s26], [sflag:$0x1] =	stream.indirect_vreg.gather [hbm4b:s12+s4], $0x80, v2, vm0, $0xb8;
	[tilespmem:$0x1E000] =	vst v63  }
0x4d: {  	v2 =	vld.msk [tilespmem:$0x80], $0xf;
	_ =	sdelay $0x4  }
0x4e: {  	v3 =	vshll.u32 v2, $0x5  }
0x4f: {  	v2 =	vand.u32 $0x7, v2;
	v3 =	vand.u32 $0xFFFFFF00, v3  }
0x50: {  	v2 =	vor.u32 v2, v3  }
0x51: {  	v2 =	vperm.xlane v2, v0;
	_ =	sdelay $0x1  }
0x52: {  	v2 =	vadd.s32 v1, v2;
	_ =	sdelay $0x3  }
0x53: {  	s29 =	simm.s32 $0x6000  }
0x54: {  	[tilespmem:s29], [sflag:$0x2] =	stream.indirect_vreg.gather [hbm4b:s2+s4], $0x80, v2, vm0, $0xb8;
	[tilespmem:$0x1E000] =	vst v63  }
0x55: {  	s1 =	simm.s32 $0x6800  }
0x56: {  	[tilespmem:s1], [sflag:$0x2] =	stream.indirect_vreg.gather [hbm4b:s6+s4], $0x80, v2, vm0, $0xb8;
	[tilespmem:$0x1E000] =	vst v63  }
0x57: {  	s14 =	simm.s32 $0x7000  }
0x58: {  	[tilespmem:s14], [sflag:$0x2] =	stream.indirect_vreg.gather [hbm4b:s7+s4], $0x80, v2, vm0, $0xb8;
	[tilespmem:$0x1E000] =	vst v63  }
0x59: {  	s15 =	simm.s32 $0x7800  }
0x5a: {  	[tilespmem:s15], [sflag:$0x2] =	stream.indirect_vreg.gather [hbm4b:s8+s4], $0x80, v2, vm0, $0xb8;
	[tilespmem:$0x1E000] =	vst v63  }
0x5b: {  	s17 =	simm.s32 $0x8000  }
0x5c: {  	[tilespmem:s17], [sflag:$0x2] =	stream.indirect_vreg.gather [hbm4b:s9+s4], $0x80, v2, vm0, $0xb8;
	[tilespmem:$0x1E000] =	vst v63  }
0x5d: {  	s19 =	simm.s32 $0x8800  }
0x5e: {  	[tilespmem:s19], [sflag:$0x2] =	stream.indirect_vreg.gather [hbm4b:s10+s4], $0x80, v2, vm0, $0xb8;
	[tilespmem:$0x1E000] =	vst v63  }
0x5f: {  	s26 =	simm.s32 $0x9000  }
0x60: {  	[tilespmem:s26], [sflag:$0x2] =	stream.indirect_vreg.gather [hbm4b:s11+s4], $0x80, v2, vm0, $0xb8;
	[tilespmem:$0x1E000] =	vst v63  }
0x61: {  	s29 =	simm.s32 $0x9800  }
0x62: {  	[tilespmem:s29], [sflag:$0x2] =	stream.indirect_vreg.gather [hbm4b:s12+s4], $0x80, v2, vm0, $0xb8;
	[tilespmem:$0x1E000] =	vst v63  }
0x63: {  	v2 =	vld.msk [tilespmem:$0x100], $0xf;
	_ =	sdelay $0x4  }
0x64: {  	v3 =	vshll.u32 v2, $0x5  }
0x65: {  	v2 =	vand.u32 $0x7, v2;
	v3 =	vand.u32 $0xFFFFFF00, v3  }
0x66: {  	v2 =	vor.u32 v2, v3  }
0x67: {  	v2 =	vperm.xlane v2, v0;
	_ =	sdelay $0x1  }
0x68: {  	v2 =	vadd.s32 v1, v2;
	_ =	sdelay $0x3  }
0x69: {  	s1 =	simm.s32 $0xA000  }
0x6a: {  	[tilespmem:s1], [sflag:$0x3] =	stream.indirect_vreg.gather [hbm4b:s2+s4], $0x80, v2, vm0, $0xb8;
	[tilespmem:$0x1E000] =	vst v63  }
0x6b: {  	s14 =	simm.s32 $0xA800  }
0x6c: {  	[tilespmem:s14], [sflag:$0x3] =	stream.indirect_vreg.gather [hbm4b:s6+s4], $0x80, v2, vm0, $0xb8;
	[tilespmem:$0x1E000] =	vst v63  }
0x6d: {  	s15 =	simm.s32 $0xB000  }
0x6e: {  	[tilespmem:s15], [sflag:$0x3] =	stream.indirect_vreg.gather [hbm4b:s7+s4], $0x80, v2, vm0, $0xb8;
	[tilespmem:$0x1E000] =	vst v63  }
0x6f: {  	s17 =	simm.s32 $0xB800  }
0x70: {  	[tilespmem:s17], [sflag:$0x3] =	stream.indirect_vreg.gather [hbm4b:s8+s4], $0x80, v2, vm0, $0xb8;
	[tilespmem:$0x1E000] =	vst v63  }
0x71: {  	s19 =	simm.s32 $0xC000  }
0x72: {  	[tilespmem:s19], [sflag:$0x3] =	stream.indirect_vreg.gather [hbm4b:s9+s4], $0x80, v2, vm0, $0xb8;
	[tilespmem:$0x1E000] =	vst v63  }
0x73: {  	s26 =	simm.s32 $0xC800  }
0x74: {  	[tilespmem:s26], [sflag:$0x3] =	stream.indirect_vreg.gather [hbm4b:s10+s4], $0x80, v2, vm0, $0xb8;
	[tilespmem:$0x1E000] =	vst v63  }
0x75: {  	s29 =	simm.s32 $0xD000  }
0x76: {  	[tilespmem:s29], [sflag:$0x3] =	stream.indirect_vreg.gather [hbm4b:s11+s4], $0x80, v2, vm0, $0xb8;
	[tilespmem:$0x1E000] =	vst v63  }
0x77: {  	s1 =	simm.s32 $0xD800  }
0x78: {  	[tilespmem:s1], [sflag:$0x3] =	stream.indirect_vreg.gather [hbm4b:s12+s4], $0x80, v2, vm0, $0xb8;
	[tilespmem:$0x1E000] =	vst v63  }
0x79: {  	v2 =	vld.msk [tilespmem:$0x180], $0xf;
	_ =	sdelay $0x4  }
0x7a: {  	v3 =	vshll.u32 v2, $0x5  }
0x7b: {  	v2 =	vand.u32 $0x7, v2;
	v3 =	vand.u32 $0xFFFFFF00, v3  }
0x7c: {  	v2 =	vor.u32 v2, v3  }
0x7d: {  	v2 =	vperm.xlane v2, v0;
	_ =	sdelay $0x1  }
0x7e: {  	v2 =	vadd.s32 v1, v2;
	_ =	sdelay $0x4  }
0x7f: {  	[tilespmem:s5], [sflag:$0x4] =	stream.indirect_vreg.gather [hbm4b:s2+s4], $0x80, v2, vm0, $0xb8;
	[tilespmem:$0x1E000] =	vst v63  }
0x80: {  	s5 =	simm.s32 $0xE800  }
0x81: {  	[tilespmem:s5], [sflag:$0x4] =	stream.indirect_vreg.gather [hbm4b:s6+s4], $0x80, v2, vm0, $0xb8;
	[tilespmem:$0x1E000] =	vst v63  }
0x82: {  	s14 =	simm.s32 $0xF000  }
0x83: {  	[tilespmem:s14], [sflag:$0x4] =	stream.indirect_vreg.gather [hbm4b:s7+s4], $0x80, v2, vm0, $0xb8;
	[tilespmem:$0x1E000] =	vst v63  }
0x84: {  	s15 =	simm.s32 $0xF800  }
0x85: {  	[tilespmem:s15], [sflag:$0x4] =	stream.indirect_vreg.gather [hbm4b:s8+s4], $0x80, v2, vm0, $0xb8;
	[tilespmem:$0x1E000] =	vst v63  }
0x86: {  	s17 =	simm.s32 $0x10000  }
0x87: {  	[tilespmem:s17], [sflag:$0x4] =	stream.indirect_vreg.gather [hbm4b:s9+s4], $0x80, v2, vm0, $0xb8;
	[tilespmem:$0x1E000] =	vst v63  }
0x88: {  	s19 =	simm.s32 $0x10800  }
0x89: {  	[tilespmem:s19], [sflag:$0x4] =	stream.indirect_vreg.gather [hbm4b:s10+s4], $0x80, v2, vm0, $0xb8;
	[tilespmem:$0x1E000] =	vst v63  }
0x8a: {  	s28 =	simm.s32 $0x0;
	s0 =	simm.s32 $0x140;
	s26 =	simm.s32 $0x11000  }
0x8b: {  	[tilespmem:s26], [sflag:$0x4] =	stream.indirect_vreg.gather [hbm4b:s11+s4], $0x80, v2, vm0, $0xb8;
	[tilespmem:$0x1E000] =	vst v63  }
0x8c: {  	s29 =	simm.s32 $0x11800;
	s5 =	simm.s32 $0x0;
	s26 =	simm.s32 $0x500  }
0x8d: {  	[tilespmem:s29], [sflag:$0x4] =	stream.indirect_vreg.gather [hbm4b:s12+s4], $0x80, v2, vm0, $0xb8;
	[tilespmem:$0x1E000] =	vst v63  }
.LBB2_2:
0x8e: {  	s14 =	simm.s32 $0x1  }
0x8f: {  	_ =	swait.ge [sflag:s14], $0x4000  }
0x90: {  	s1 =	rddreg [dreg:$0x7]  }
0x91: {  	s17 =	sand.u32 $0x40, s5;
	p0 =	seq.s32 s28, $0x0;
	s15 =	sadd.s32 s28, s1  }
0x92: {  	s17 =	sadd.s32 s3, s17;
	[sflag:s14] =	ssyncset.done $0x0;
	s29 =	sand.u32 $0x7FF000, s15  }
0x93: {  	[sflag:s14] =	ssyncadd.s32 $0xFFFFC000;
	s1 =	simm.s32 $0x2000;
	s29 =	sadd.s32 s29, s17  }
0x94: {  	[hbm4b:s29+s16] =	stream.strided.scatter [tilespmem:s1], [sflag:$0x8], $0x4000, s18, s16, $0x38;
	[tilespmem:$0x1E000] =	vst v63  }
0x95: {  	s29 =	simm.s32 @!p0 $0xC  }
0x96: {  	_ =	swait.ge @!p0 [sflag:s29], $0x4000  }
0x97: {  	[sflag:s29] =	ssyncset.done @!p0 $0x0  }
0x98: {  	[sflag:s29] =	ssyncadd.s32 @!p0 $0xFFFFC000  }
0x99: {  	v2 =	vld.msk [tilespmem:s26+$0xFFFFFD00], $0xf;
	_ =	sdelay $0x4  }
0x9a: {  	v3 =	vshll.u32 v2, $0x5  }
0x9b: {  	v2 =	vand.u32 $0x7, v2;
	v3 =	vand.u32 $0xFFFFFF00, v3  }
0x9c: {  	v2 =	vor.u32 v2, v3  }
0x9d: {  	v2 =	vperm.xlane v2, v0;
	_ =	sdelay $0x1  }
0x9e: {  	v2 =	vadd.s32 v1, v2;
	_ =	sdelay $0x4  }
0x9f: {  	[tilespmem:s31], [sflag:$0x5] =	stream.indirect_vreg.gather [hbm4b:s2+s4], $0x80, v2, vm0, $0xb8;
	[tilespmem:$0x1E000] =	vst v63  }
0xa0: {  	s19 =	simm.s32 $0x12800  }
0xa1: {  	[tilespmem:s19], [sflag:$0x5] =	stream.indirect_vreg.gather [hbm4b:s6+s4], $0x80, v2, vm0, $0xb8;
	[tilespmem:$0x1E000] =	vst v63  }
0xa2: {  	s14 =	simm.s32 $0x13000  }
0xa3: {  	[tilespmem:s14], [sflag:$0x5] =	stream.indirect_vreg.gather [hbm4b:s7+s4], $0x80, v2, vm0, $0xb8;
	[tilespmem:$0x1E000] =	vst v63  }
0xa4: {  	s29 =	simm.s32 $0x13800  }
0xa5: {  	[tilespmem:s29], [sflag:$0x5] =	stream.indirect_vreg.gather [hbm4b:s8+s4], $0x80, v2, vm0, $0xb8;
	[tilespmem:$0x1E000] =	vst v63  }
0xa6: {  	s14 =	simm.s32 $0x14000  }
0xa7: {  	[tilespmem:s14], [sflag:$0x5] =	stream.indirect_vreg.gather [hbm4b:s9+s4], $0x80, v2, vm0, $0xb8;
	[tilespmem:$0x1E000] =	vst v63  }
0xa8: {  	s29 =	simm.s32 $0x14800  }
0xa9: {  	[tilespmem:s29], [sflag:$0x5] =	stream.indirect_vreg.gather [hbm4b:s10+s4], $0x80, v2, vm0, $0xb8;
	[tilespmem:$0x1E000] =	vst v63  }
0xaa: {  	s14 =	simm.s32 $0x15000  }
0xab: {  	[tilespmem:s14], [sflag:$0x5] =	stream.indirect_vreg.gather [hbm4b:s11+s4], $0x80, v2, vm0, $0xb8;
	[tilespmem:$0x1E000] =	vst v63  }
0xac: {  	s29 =	simm.s32 $0x15800  }
0xad: {  	[tilespmem:s29], [sflag:$0x5] =	stream.indirect_vreg.gather [hbm4b:s12+s4], $0x80, v2, vm0, $0xb8;
	[tilespmem:$0x1E000] =	vst v63  }
0xae: {  	s14 =	simm.s32 $0x2;
	s29 =	sadd.s32 $0xFFFFFF00, s0  }
0xaf: {  	s19 =	sadd.s32 $0x800, s15;
	_ =	swait.ge [sflag:s14], $0x4000;
	s29 =	sand.u32 $0x40, s29  }
0xb0: {  	s19 =	sand.u32 $0x7FF000, s19;
	[sflag:s14] =	ssyncset.done $0x0;
	s29 =	sadd.s32 s3, s29  }
0xb1: {  	[sflag:s14] =	ssyncadd.s32 $0xFFFFC000;
	s19 =	sadd.s32 s19, s29;
	s14 =	simm.s32 $0x6000  }
0xb2: {  	[hbm4b:s19+s16] =	stream.strided.scatter [tilespmem:s14], [sflag:$0x9], $0x4000, s18, s16, $0x38;
	[tilespmem:$0x1E000] =	vst v63  }
0xb3: {  	s19 =	simm.s32 @!p0 $0xD  }
0xb4: {  	_ =	swait.ge @!p0 [sflag:s19], $0x4000  }
0xb5: {  	[sflag:s19] =	ssyncset.done @!p0 $0x0  }
0xb6: {  	[sflag:s19] =	ssyncadd.s32 @!p0 $0xFFFFC000  }
0xb7: {  	v2 =	vld.msk [tilespmem:s26+$0xFFFFFD80], $0xf;
	_ =	sdelay $0x4  }
0xb8: {  	v3 =	vshll.u32 v2, $0x5  }
0xb9: {  	v2 =	vand.u32 $0x7, v2;
	v3 =	vand.u32 $0xFFFFFF00, v3  }
0xba: {  	v2 =	vor.u32 v2, v3  }
0xbb: {  	v2 =	vperm.xlane v2, v0;
	_ =	sdelay $0x1  }
0xbc: {  	v2 =	vadd.s32 v1, v2;
	_ =	sdelay $0x3  }
0xbd: {  	s14 =	simm.s32 $0x16000  }
0xbe: {  	[tilespmem:s14], [sflag:$0x6] =	stream.indirect_vreg.gather [hbm4b:s2+s4], $0x80, v2, vm0, $0xb8;
	[tilespmem:$0x1E000] =	vst v63  }
0xbf: {  	s29 =	simm.s32 $0x16800  }
0xc0: {  	[tilespmem:s29], [sflag:$0x6] =	stream.indirect_vreg.gather [hbm4b:s6+s4], $0x80, v2, vm0, $0xb8;
	[tilespmem:$0x1E000] =	vst v63  }
0xc1: {  	s29 =	simm.s32 $0x17000  }
0xc2: {  	[tilespmem:s29], [sflag:$0x6] =	stream.indirect_vreg.gather [hbm4b:s7+s4], $0x80, v2, vm0, $0xb8;
	[tilespmem:$0x1E000] =	vst v63  }
0xc3: {  	s29 =	simm.s32 $0x17800  }
0xc4: {  	[tilespmem:s29], [sflag:$0x6] =	stream.indirect_vreg.gather [hbm4b:s8+s4], $0x80, v2, vm0, $0xb8;
	[tilespmem:$0x1E000] =	vst v63  }
0xc5: {  	s29 =	simm.s32 $0x18000  }
0xc6: {  	[tilespmem:s29], [sflag:$0x6] =	stream.indirect_vreg.gather [hbm4b:s9+s4], $0x80, v2, vm0, $0xb8;
	[tilespmem:$0x1E000] =	vst v63  }
0xc7: {  	s29 =	simm.s32 $0x18800  }
0xc8: {  	[tilespmem:s29], [sflag:$0x6] =	stream.indirect_vreg.gather [hbm4b:s10+s4], $0x80, v2, vm0, $0xb8;
	[tilespmem:$0x1E000] =	vst v63  }
0xc9: {  	s29 =	simm.s32 $0x19000  }
0xca: {  	[tilespmem:s29], [sflag:$0x6] =	stream.indirect_vreg.gather [hbm4b:s11+s4], $0x80, v2, vm0, $0xb8;
	[tilespmem:$0x1E000] =	vst v63  }
0xcb: {  	s29 =	simm.s32 $0x19800  }
0xcc: {  	[tilespmem:s29], [sflag:$0x6] =	stream.indirect_vreg.gather [hbm4b:s12+s4], $0x80, v2, vm0, $0xb8;
	[tilespmem:$0x1E000] =	vst v63  }
0xcd: {  	s29 =	sadd.s32 $0x1000, s15;
	_ =	swait.ge [sflag:s22], $0x4000  }
0xce: {  	s19 =	sand.u32 $0x7FF000, s29;
	[sflag:s22] =	ssyncset.done $0x0  }
0xcf: {  	s29 =	simm.s32 $0xA000;
	s19 =	sadd.s32 s19, s17;
	[sflag:s22] =	ssyncadd.s32 $0xFFFFC000  }
0xd0: {  	[hbm4b:s19+s16] =	stream.strided.scatter [tilespmem:s29], [sflag:$0xA], $0x4000, s18, s16, $0x38;
	[tilespmem:$0x1E000] =	vst v63  }
0xd1: {  	s19 =	simm.s32 @!p0 $0xE  }
0xd2: {  	_ =	swait.ge @!p0 [sflag:s19], $0x4000  }
0xd3: {  	[sflag:s19] =	ssyncset.done @!p0 $0x0  }
0xd4: {  	[sflag:s19] =	ssyncadd.s32 @!p0 $0xFFFFC000  }
0xd5: {  	v2 =	vld.msk [tilespmem:s26+$0xFFFFFE00], $0xf;
	_ =	sdelay $0x4  }
0xd6: {  	v3 =	vshll.u32 v2, $0x5  }
0xd7: {  	v2 =	vand.u32 $0x7, v2;
	v3 =	vand.u32 $0xFFFFFF00, v3  }
0xd8: {  	v2 =	vor.u32 v2, v3  }
0xd9: {  	v2 =	vperm.xlane v2, v0;
	_ =	sdelay $0x1  }
0xda: {  	v2 =	vadd.s32 v1, v2;
	_ =	sdelay $0x4  }
0xdb: {  	[tilespmem:s23], [sflag:$0x7] =	stream.indirect_vreg.gather [hbm4b:s2+s4], $0x80, v2, vm0, $0xb8;
	[tilespmem:$0x1E000] =	vst v63  }
0xdc: {  	s29 =	simm.s32 $0x1A800  }
0xdd: {  	[tilespmem:s29], [sflag:$0x7] =	stream.indirect_vreg.gather [hbm4b:s6+s4], $0x80, v2, vm0, $0xb8;
	[tilespmem:$0x1E000] =	vst v63  }
0xde: {  	s29 =	simm.s32 $0x1B000  }
0xdf: {  	[tilespmem:s29], [sflag:$0x7] =	stream.indirect_vreg.gather [hbm4b:s7+s4], $0x80, v2, vm0, $0xb8;
	[tilespmem:$0x1E000] =	vst v63  }
0xe0: {  	s29 =	simm.s32 $0x1B800  }
0xe1: {  	[tilespmem:s29], [sflag:$0x7] =	stream.indirect_vreg.gather [hbm4b:s8+s4], $0x80, v2, vm0, $0xb8;
	[tilespmem:$0x1E000] =	vst v63  }
0xe2: {  	s29 =	simm.s32 $0x1C000  }
0xe3: {  	[tilespmem:s29], [sflag:$0x7] =	stream.indirect_vreg.gather [hbm4b:s9+s4], $0x80, v2, vm0, $0xb8;
	[tilespmem:$0x1E000] =	vst v63  }
0xe4: {  	s29 =	simm.s32 $0x1C800  }
0xe5: {  	[tilespmem:s29], [sflag:$0x7] =	stream.indirect_vreg.gather [hbm4b:s10+s4], $0x80, v2, vm0, $0xb8;
	[tilespmem:$0x1E000] =	vst v63  }
0xe6: {  	s29 =	simm.s32 $0x1D000  }
0xe7: {  	[tilespmem:s29], [sflag:$0x7] =	stream.indirect_vreg.gather [hbm4b:s11+s4], $0x80, v2, vm0, $0xb8;
	[tilespmem:$0x1E000] =	vst v63  }
0xe8: {  	s19 =	sadd.s32 $0xFFFFFF80, s0;
	s29 =	simm.s32 $0x1D800  }
0xe9: {  	[tilespmem:s29], [sflag:$0x7] =	stream.indirect_vreg.gather [hbm4b:s12+s4], $0x80, v2, vm0, $0xb8;
	[tilespmem:$0x1E000] =	vst v63  }
0xea: {  	s19 =	sand.u32 $0x40, s19;
	s29 =	sadd.s32 $0x1800, s15;
	_ =	swait.ge [sflag:s13], $0x4000  }
0xeb: {  	s19 =	sadd.s32 s3, s19;
	s29 =	sand.u32 $0x7FF000, s29;
	[sflag:s13] =	ssyncset.done $0x0  }
0xec: {  	s19 =	sadd.s32 s29, s19;
	s29 =	simm.s32 $0xE000;
	[sflag:s13] =	ssyncadd.s32 $0xFFFFC000  }
0xed: {  	[hbm4b:s19+s16] =	stream.strided.scatter [tilespmem:s29], [sflag:$0xB], $0x4000, s18, s16, $0x38;
	[tilespmem:$0x1E000] =	vst v63  }
0xee: {  	_ =	swait.ge [sflag:s20], $0x4000  }
0xef: {  	[sflag:s20] =	ssyncset.done $0x0  }
0xf0: {  	[sflag:s20] =	ssyncadd.s32 $0xFFFFC000  }
0xf1: {  	v2 =	vld.msk [tilespmem:s26+$0xFFFFFE80], $0xf;
	_ =	sdelay $0x4  }
0xf2: {  	v3 =	vshll.u32 v2, $0x5  }
0xf3: {  	v2 =	vand.u32 $0x7, v2;
	v3 =	vand.u32 $0xFFFFFF00, v3  }
0xf4: {  	v2 =	vor.u32 v2, v3  }
0xf5: {  	v2 =	vperm.xlane v2, v0;
	_ =	sdelay $0x1  }
0xf6: {  	v2 =	vadd.s32 v1, v2;
	_ =	sdelay $0x4  }
0xf7: {  	[tilespmem:s1], [sflag:$0x1] =	stream.indirect_vreg.gather [hbm4b:s2+s4], $0x80, v2, vm0, $0xb8;
	[tilespmem:$0x1E000] =	vst v63  }
0xf8: {  	s29 =	simm.s32 $0x2800  }
0xf9: {  	[tilespmem:s29], [sflag:$0x1] =	stream.indirect_vreg.gather [hbm4b:s6+s4], $0x80, v2, vm0, $0xb8;
	[tilespmem:$0x1E000] =	vst v63  }
0xfa: {  	s19 =	simm.s32 $0x3000  }
0xfb: {  	[tilespmem:s19], [sflag:$0x1] =	stream.indirect_vreg.gather [hbm4b:s7+s4], $0x80, v2, vm0, $0xb8;
	[tilespmem:$0x1E000] =	vst v63  }
0xfc: {  	s29 =	simm.s32 $0x3800  }
0xfd: {  	[tilespmem:s29], [sflag:$0x1] =	stream.indirect_vreg.gather [hbm4b:s8+s4], $0x80, v2, vm0, $0xb8;
	[tilespmem:$0x1E000] =	vst v63  }
0xfe: {  	s19 =	simm.s32 $0x4000  }
0xff: {  	[tilespmem:s19], [sflag:$0x1] =	stream.indirect_vreg.gather [hbm4b:s9+s4], $0x80, v2, vm0, $0xb8;
	[tilespmem:$0x1E000] =	vst v63  }
0x100: {  	s29 =	simm.s32 $0x4800  }
0x101: {  	[tilespmem:s29], [sflag:$0x1] =	stream.indirect_vreg.gather [hbm4b:s10+s4], $0x80, v2, vm0, $0xb8;
	[tilespmem:$0x1E000] =	vst v63  }
0x102: {  	s19 =	simm.s32 $0x5000  }
0x103: {  	[tilespmem:s19], [sflag:$0x1] =	stream.indirect_vreg.gather [hbm4b:s11+s4], $0x80, v2, vm0, $0xb8;
	[tilespmem:$0x1E000] =	vst v63  }
0x104: {  	s29 =	simm.s32 $0x5800  }
0x105: {  	[tilespmem:s29], [sflag:$0x1] =	stream.indirect_vreg.gather [hbm4b:s12+s4], $0x80, v2, vm0, $0xb8;
	[tilespmem:$0x1E000] =	vst v63  }
0x106: {  	s1 =	sadd.s32 $0x2000, s15;
	_ =	swait.ge [sflag:s21], $0x4000  }
0x107: {  	s19 =	sand.u32 $0x7FF000, s1;
	[sflag:s21] =	ssyncset.done $0x0  }
0x108: {  	p0 =	seq.s32 s28, $0x1C000;
	s19 =	sadd.s32 s19, s17;
	[sflag:s21] =	ssyncadd.s32 $0xFFFFC000  }
0x109: {  	[hbm4b:s19+s16] =	stream.strided.scatter [tilespmem:s31], [sflag:$0xC], $0x4000, s18, s16, $0x38;
	[tilespmem:$0x1E000] =	vst v63  }
0x10a: {  	s19 =	simm.s32 @!p0 $0x9  }
0x10b: {  	_ =	swait.ge @!p0 [sflag:s19], $0x4000  }
0x10c: {  	[sflag:s19] =	ssyncset.done @!p0 $0x0  }
0x10d: {  	[sflag:s19] =	ssyncadd.s32 @!p0 $0xFFFFC000  }
0x10e: {  	v2 =	vld.msk @!p0 [tilespmem:s26+$0xFFFFFF00], $0xf;
	_ =	sdelay $0x4  }
0x10f: {  	v3 =	vshll.u32 @!p0 v2, $0x5  }
0x110: {  	v4 =	vlaneseq.u32 @!p0;
	v2 =	vand.u32 @!p0 $0x7, v2;
	v3 =	vand.u32 @!p0 $0xFFFFFF00, v3  }
0x111: {  	v2 =	vor.u32 @!p0 v2, v3;
	v3 =	vand.u32 @!p0 $0x3, v4;
	v4 =	vshrl.u32 @!p0 v4, $0x2  }
0x112: {  	v2 =	vperm.xlane @!p0 v2, v3;
	v4 =	vmul.u32 @!p0 $0x8, v4;
	_ =	sdelay $0x1  }
0x113: {  	v2 =	vadd.s32 @!p0 v4, v2;
	_ =	sdelay $0x3  }
0x114: {  	vm1 =	vmmov @!p0 $0xffff;
	s29 =	simm.s32 @!p0 $0x6000;
	s19 =	simm.s32 @!p0 $0x0  }
0x115: {  	[tilespmem:s29], [sflag:$0x2] =	stream.indirect_vreg.gather @!p0 [hbm4b:s2+s19], $0x80, v2, vm1, $0xb8;
	[tilespmem:$0x1E000] =	vst v63  }
0x116: {  	s29 =	simm.s32 @!p0 $0x6800  }
0x117: {  	[tilespmem:s29], [sflag:$0x2] =	stream.indirect_vreg.gather @!p0 [hbm4b:s6+s19], $0x80, v2, vm1, $0xb8;
	[tilespmem:$0x1E000] =	vst v63  }
0x118: {  	s29 =	simm.s32 @!p0 $0x7000  }
0x119: {  	[tilespmem:s29], [sflag:$0x2] =	stream.indirect_vreg.gather @!p0 [hbm4b:s7+s19], $0x80, v2, vm1, $0xb8;
	[tilespmem:$0x1E000] =	vst v63  }
0x11a: {  	s29 =	simm.s32 @!p0 $0x7800  }
0x11b: {  	[tilespmem:s29], [sflag:$0x2] =	stream.indirect_vreg.gather @!p0 [hbm4b:s8+s19], $0x80, v2, vm1, $0xb8;
	[tilespmem:$0x1E000] =	vst v63  }
0x11c: {  	s29 =	simm.s32 @!p0 $0x8000  }
0x11d: {  	[tilespmem:s29], [sflag:$0x2] =	stream.indirect_vreg.gather @!p0 [hbm4b:s9+s19], $0x80, v2, vm1, $0xb8;
	[tilespmem:$0x1E000] =	vst v63  }
0x11e: {  	s29 =	simm.s32 @!p0 $0x8800  }
0x11f: {  	[tilespmem:s29], [sflag:$0x2] =	stream.indirect_vreg.gather @!p0 [hbm4b:s10+s19], $0x80, v2, vm1, $0xb8;
	[tilespmem:$0x1E000] =	vst v63  }
0x120: {  	s29 =	simm.s32 @!p0 $0x9000  }
0x121: {  	[tilespmem:s29], [sflag:$0x2] =	stream.indirect_vreg.gather @!p0 [hbm4b:s11+s19], $0x80, v2, vm1, $0xb8;
	[tilespmem:$0x1E000] =	vst v63  }
0x122: {  	s29 =	simm.s32 @!p0 $0x9800  }
0x123: {  	[tilespmem:s29], [sflag:$0x2] =	stream.indirect_vreg.gather @!p0 [hbm4b:s12+s19], $0x80, v2, vm1, $0xb8;
	[tilespmem:$0x1E000] =	vst v63  }
0x124: {  	s1 =	sand.u32 $0x40, s0;
	s29 =	sadd.s32 $0x2800, s15;
	_ =	swait.ge [sflag:s24], $0x4000  }
0x125: {  	s1 =	sadd.s32 s3, s1;
	s29 =	sand.u32 $0x7FF000, s29;
	[sflag:s24] =	ssyncset.done $0x0  }
0x126: {  	s1 =	sadd.s32 s29, s1;
	[sflag:s24] =	ssyncadd.s32 $0xFFFFC000  }
0x127: {  	[hbm4b:s1+s16] =	stream.strided.scatter [tilespmem:s14], [sflag:$0xD], $0x4000, s18, s16, $0x38;
	[tilespmem:$0x1E000] =	vst v63  }
0x128: {  	s1 =	simm.s32 @!p0 $0xA  }
0x129: {  	_ =	swait.ge @!p0 [sflag:s1], $0x4000  }
0x12a: {  	[sflag:s1] =	ssyncset.done @!p0 $0x0  }
0x12b: {  	[sflag:s1] =	ssyncadd.s32 @!p0 $0xFFFFC000  }
0x12c: {  	v2 =	vld.msk @!p0 [tilespmem:s26+$0xFFFFFF80], $0xf;
	_ =	sdelay $0x4  }
0x12d: {  	v5 =	vshll.u32 @!p0 v2, $0x5  }
0x12e: {  	v2 =	vand.u32 @!p0 $0x7, v2;
	v5 =	vand.u32 @!p0 $0xFFFFFF00, v5  }
0x12f: {  	v2 =	vor.u32 @!p0 v2, v5  }
0x130: {  	v2 =	vperm.xlane @!p0 v2, v3;
	_ =	sdelay $0x1  }
0x131: {  	v2 =	vadd.s32 @!p0 v4, v2;
	_ =	sdelay $0x3  }
0x132: {  	s1 =	simm.s32 @!p0 $0xA000  }
0x133: {  	[tilespmem:s1], [sflag:$0x3] =	stream.indirect_vreg.gather @!p0 [hbm4b:s2+s19], $0x80, v2, vm1, $0xb8;
	[tilespmem:$0x1E000] =	vst v63  }
0x134: {  	s1 =	simm.s32 @!p0 $0xA800  }
0x135: {  	[tilespmem:s1], [sflag:$0x3] =	stream.indirect_vreg.gather @!p0 [hbm4b:s6+s19], $0x80, v2, vm1, $0xb8;
	[tilespmem:$0x1E000] =	vst v63  }
0x136: {  	s1 =	simm.s32 @!p0 $0xB000  }
0x137: {  	[tilespmem:s1], [sflag:$0x3] =	stream.indirect_vreg.gather @!p0 [hbm4b:s7+s19], $0x80, v2, vm1, $0xb8;
	[tilespmem:$0x1E000] =	vst v63  }
0x138: {  	s1 =	simm.s32 @!p0 $0xB800  }
0x139: {  	[tilespmem:s1], [sflag:$0x3] =	stream.indirect_vreg.gather @!p0 [hbm4b:s8+s19], $0x80, v2, vm1, $0xb8;
	[tilespmem:$0x1E000] =	vst v63  }
0x13a: {  	s1 =	simm.s32 @!p0 $0xC000  }
0x13b: {  	[tilespmem:s1], [sflag:$0x3] =	stream.indirect_vreg.gather @!p0 [hbm4b:s9+s19], $0x80, v2, vm1, $0xb8;
	[tilespmem:$0x1E000] =	vst v63  }
0x13c: {  	s1 =	simm.s32 @!p0 $0xC800  }
0x13d: {  	[tilespmem:s1], [sflag:$0x3] =	stream.indirect_vreg.gather @!p0 [hbm4b:s10+s19], $0x80, v2, vm1, $0xb8;
	[tilespmem:$0x1E000] =	vst v63  }
0x13e: {  	s1 =	simm.s32 @!p0 $0xD000  }
0x13f: {  	[tilespmem:s1], [sflag:$0x3] =	stream.indirect_vreg.gather @!p0 [hbm4b:s11+s19], $0x80, v2, vm1, $0xb8;
	[tilespmem:$0x1E000] =	vst v63  }
0x140: {  	s1 =	simm.s32 @!p0 $0xD800  }
0x141: {  	[tilespmem:s1], [sflag:$0x3] =	stream.indirect_vreg.gather @!p0 [hbm4b:s12+s19], $0x80, v2, vm1, $0xb8;
	[tilespmem:$0x1E000] =	vst v63  }
.Ltmp2:
0x142: {  	_ = 	snop;
	(pc) =	sbr.rel @p0 .LBB2_4-.Ltmp2, $4  }
0x143: {  	s29 =	sadd.s32 $0x3000, s15;
	_ =	swait.ge [sflag:s25], $0x4000  }
0x144: {  	s1 =	sand.u32 $0x7FF000, s29;
	[sflag:s25] =	ssyncset.done $0x0  }
0x145: {  	s1 =	sadd.s32 s1, s17;
	[sflag:s25] =	ssyncadd.s32 $0xFFFFC000  }
0x146: {  	[hbm4b:s1+s16] =	stream.strided.scatter [tilespmem:s23], [sflag:$0xE], $0x4000, s18, s16, $0x38;
	[tilespmem:$0x1E000] =	vst v63  }
0x147: {  	_ =	swait.ge [sflag:s30], $0x4000  }
0x148: {  	[sflag:s30] =	ssyncset.done $0x0  }
0x149: {  	[sflag:s30] =	ssyncadd.s32 $0xFFFFC000  }
0x14a: {  	v2 =	vld.msk [tilespmem:s26+$0x0], $0xf;
	_ =	sdelay $0x4  }
0x14b: {  	v3 =	vshll.u32 v2, $0x5  }
0x14c: {  	v2 =	vand.u32 $0x7, v2;
	v3 =	vand.u32 $0xFFFFFF00, v3  }
0x14d: {  	v2 =	vor.u32 v2, v3  }
0x14e: {  	v2 =	vperm.xlane v2, v0;
	_ =	sdelay $0x1  }
0x14f: {  	v2 =	vadd.s32 v1, v2;
	_ =	sdelay $0x3  }
0x150: {  	s1 =	simm.s32 $0xE000  }
0x151: {  	[tilespmem:s1], [sflag:$0x4] =	stream.indirect_vreg.gather [hbm4b:s2+s4], $0x80, v2, vm0, $0xb8;
	[tilespmem:$0x1E000] =	vst v63  }
0x152: {  	s19 =	simm.s32 $0xE800  }
0x153: {  	[tilespmem:s19], [sflag:$0x4] =	stream.indirect_vreg.gather [hbm4b:s6+s4], $0x80, v2, vm0, $0xb8;
	[tilespmem:$0x1E000] =	vst v63  }
0x154: {  	s29 =	simm.s32 $0xF000  }
0x155: {  	[tilespmem:s29], [sflag:$0x4] =	stream.indirect_vreg.gather [hbm4b:s7+s4], $0x80, v2, vm0, $0xb8;
	[tilespmem:$0x1E000] =	vst v63  }
0x156: {  	s14 =	simm.s32 $0xF800  }
0x157: {  	[tilespmem:s14], [sflag:$0x4] =	stream.indirect_vreg.gather [hbm4b:s8+s4], $0x80, v2, vm0, $0xb8;
	[tilespmem:$0x1E000] =	vst v63  }
0x158: {  	s15 =	simm.s32 $0x10000  }
0x159: {  	[tilespmem:s15], [sflag:$0x4] =	stream.indirect_vreg.gather [hbm4b:s9+s4], $0x80, v2, vm0, $0xb8;
	[tilespmem:$0x1E000] =	vst v63  }
0x15a: {  	s17 =	simm.s32 $0x10800  }
0x15b: {  	[tilespmem:s17], [sflag:$0x4] =	stream.indirect_vreg.gather [hbm4b:s10+s4], $0x80, v2, vm0, $0xb8;
	[tilespmem:$0x1E000] =	vst v63  }
.Ltmp3:
0x15c: {  	_ = 	snop;
	(pc) =	sbr.rel .LBB2_2-.Ltmp3, $4  }
0x15d: {  	s5 =	sadd.s32 $0x40, s5;
	s28 =	sadd.s32 $0x3800, s28;
	s19 =	simm.s32 $0x11000  }
0x15e: {  	[tilespmem:s19], [sflag:$0x4] =	stream.indirect_vreg.gather [hbm4b:s11+s4], $0x80, v2, vm0, $0xb8;
	[tilespmem:$0x1E000] =	vst v63  }
0x15f: {  	s0 =	sadd.s32 $0x1C0, s0;
	s26 =	sadd.s32 $0x380, s26;
	s29 =	simm.s32 $0x11800  }
0x160: {  	[tilespmem:s29], [sflag:$0x4] =	stream.indirect_vreg.gather [hbm4b:s12+s4], $0x80, v2, vm0, $0xb8;
	[tilespmem:$0x1E000] =	vst v63  }
.LBB2_5:
0x161: {  	_ =	sfence.sel $0x180000  }
0x162: {  	[bflag:$0x0] =	sbarrier.arrive $0xFFFF  }
0x163: {  	_ =	strace $0x90000047  }
0x164: {  	s0 =	stileid.u32;
	[bflag:$0x2] =	sbarrier.arrive $0xFFFF  }
0x165: {  	p0 =	sne.s32 s0, $0x0;
	s0 =	rddreg [dreg:$0x3]  }
0x166: {  	s0 =	sadd.s32 @!p0 $0x100000, s0  }
0x167: {  	[sflag:s0] =	ssyncadd.tile.s32 @!p0 $0x1;
	_ =	shalt  }
.Lfunc_end2:
_tile_overlayer_lowered:
.L_overlay_start_2:
0x168: {  	(tag) =	ssettag $0x2  }
0x169: {  	s0 =	rddreg [dreg:$0x0];
	s2 =	stileid.u32  }
0x16a: {  	s1 =	rddreg [dreg:$0x1];
	p0 =	sne.s32 s2, $0x0  }
0x16b: {  	s3 =	rddreg [dreg:$0x2];
	[bflag:$0x3] =	sbarrier.arrive $0xFFFF;
	s2 =	simm.s32 @!p0 $0x1C0F  }
0x16c: {  	[timem:s3], [sflag:s2] =	dma.local @!p0 [hbm:s0], s1  }
0x16d: {  	s0 =	simm.s32 @!p0 $0xF  }
0x16e: {  	_ =	swait.ge @!p0 [sflag:s0], s1  }
0x16f: {  	s1 =	ssub.s32 @!p0 $0x0, s1;
	[sflag:s0] =	ssyncset.done @!p0 $0x0  }
0x170: {  	[sflag:s0] =	ssyncadd.s32 @!p0 s1  }
0x171: {  	[bflag:$0x3] =	sbarrier.arrive $0xFFFF  }
0x172: {  	_ =	shalt  }

</sc_bundles>
